<compile_context>
chip_gen: v7x
topology: tpu7x:2x2x1
jax: 0.10.2.dev20260603
libtpu: 0.0.44.dev20260713+nightly
codegen_flags: <defaults>
</compile_context>

<pallas_src>
import functools

import jax
import jax.numpy as jnp
from jax import lax
from jax.experimental import pallas as pl
from jax.experimental.pallas import tpu as pltpu
from jax.experimental.pallas import tpu_sc as plsc

NC = 2
NS = 16
NW = NC * NS
B = 128


def _make_sc_deg(N, C, n_pad):
    stripe = n_pad // NS

    mesh = plsc.VectorSubcoreMesh(core_axis_name="c", subcore_axis_name="s")

    @functools.partial(
        pl.kernel,
        mesh=mesh,
        out_type=jax.ShapeDtypeStruct((NC, n_pad), jnp.float32),
        scratch_types=[
            pltpu.VMEM((C, B), jnp.int32),
            pltpu.VMEM((B,), jnp.float32),
            pltpu.VMEM((stripe,), jnp.float32),
            pltpu.VMEM_SHARED((n_pad,), jnp.float32),
        ],
    )
    def deg_kernel(row_hbm, degp_hbm, idx_v, ones_v, zero_v, acc_sh):
        c = lax.axis_index("c")
        s = lax.axis_index("s")
        w = c * NS + s

        @pl.loop(0, stripe // 16)
        def _(i):
            zero_v[pl.ds(i * 16, 16)] = jnp.zeros((16,), jnp.float32)

        @pl.loop(0, B // 16)
        def _(j):
            ones_v[pl.ds(j * 16, 16)] = jnp.ones((16,), jnp.float32)

        pltpu.sync_copy(zero_v, acc_sh.at[pl.ds(s * stripe, stripe)])
        plsc.subcore_barrier()

        pltpu.sync_copy(row_hbm.at[w], idx_v)

        @pl.loop(0, C)
        def _(j):
            pltpu.sync_copy(ones_v, acc_sh.at[idx_v.at[j]], add=True)

        plsc.subcore_barrier()
        pltpu.sync_copy(
            acc_sh.at[pl.ds(s * stripe, stripe)],
            degp_hbm.at[c, pl.ds(s * stripe, stripe)],
        )

    return deg_kernel


def _make_sc_agg(N, D, C, half, rows_pad):
    stripe = rows_pad // NS
    zr = 160

    mesh = plsc.VectorSubcoreMesh(core_axis_name="c", subcore_axis_name="s")

    @functools.partial(
        pl.kernel,
        mesh=mesh,
        out_type=jax.ShapeDtypeStruct((NC, rows_pad, D), jnp.float32),
        scratch_types=[
            pltpu.VMEM((C, B), jnp.int32),
            pltpu.VMEM((C, B), jnp.int32),
            pltpu.VMEM((B, D), jnp.float32),
            pltpu.VMEM_SHARED((rows_pad, D), jnp.float32),
            pltpu.SemaphoreType.DMA,
            pltpu.VMEM((B, D), jnp.float32),
        ],
    )
    def agg_kernel(g_hbm, rowg_hbm, cols_hbm, accp_hbm,
                   rowi_v, coli_v, rows_v, acc_sh, sem, rows_v2):
        c = lax.axis_index("c")
        s = lax.axis_index("s")

        @pl.loop(0, B)
        def _(i):
            for k in range(D // 16):
                rows_v[i, pl.ds(k * 16, 16)] = jnp.zeros((16,), jnp.float32)

        base = s * stripe
        off = 0
        while off < stripe:
            n = min(B, stripe - off)
            pltpu.sync_copy(rows_v.at[pl.ds(0, n)],
                            acc_sh.at[pl.ds(base + off, n)])
            off += n

        pltpu.sync_copy(rowg_hbm.at[s], rowi_v)
        pltpu.sync_copy(cols_hbm.at[s], coli_v)

        node0 = c * half

        @pl.loop(0, C)
        def _(j):
            for k in range(B // 16):
                v = coli_v[j, pl.ds(k * 16, 16)]
                lv = v - node0
                ok = (lv >= 0) & (lv < half)
                coli_v[j, pl.ds(k * 16, 16)] = jnp.where(ok, lv, half)

        plsc.subcore_barrier()

        @pl.loop(0, C // 2)
        def _(p):
            j = 2 * p
            d0 = pltpu.async_copy(g_hbm.at[rowi_v.at[j]], rows_v, sem)
            d1 = pltpu.async_copy(g_hbm.at[rowi_v.at[j + 1]], rows_v2, sem)
            d0.wait()
            d1.wait()
            s0 = pltpu.async_copy(rows_v, acc_sh.at[coli_v.at[j]], sem,
                                  add=True)
            s1 = pltpu.async_copy(rows_v2, acc_sh.at[coli_v.at[j + 1]],
                                  sem, add=True)
            s0.wait()
            s1.wait()

        if C % 2:
            jt = C - 1
            pltpu.async_copy(g_hbm.at[rowi_v.at[jt]], rows_v, sem).wait()
            pltpu.sync_copy(rows_v, acc_sh.at[coli_v.at[jt]], add=True)

        plsc.subcore_barrier()
        pltpu.sync_copy(
            acc_sh.at[pl.ds(s * stripe, stripe)],
            accp_hbm.at[c, pl.ds(s * stripe, stripe)],
        )

    return agg_kernel


def _tc_pre_body(x_ref, w_ref, b_ref, dp_ref, g_ref, dis_ref):
    h = lax.dot_general(
        x_ref[...], w_ref[...],
        (((1,), (1,)), ((), ())),
        preferred_element_type=jnp.float32,
    ) + b_ref[...]
    deg = dp_ref[0, :] + dp_ref[1, :]
    dis = lax.rsqrt(deg)
    g_ref[...] = dis[:, None] * h
    dis_ref[...] = dis[None, :]


def _tc_post_body(acc_ref, dis_ref, out_ref):
    out_ref[...] = dis_ref[0, :][:, None] * acc_ref[...]


def kernel(x, edge_index, W, b):
    N, D = x.shape
    E = edge_index.shape[1]
    row = edge_index[0]
    col = edge_index[1]

    Cd = -(-E // (NW * B))
    pad_d = NW * Cd * B - E
    C = -(-E // (NS * B))
    pad_a = NS * C * B - E
    n_pad = -(-N // (16 * NS)) * (16 * NS)
    half = -(-N // 2)
    rows_pad = -(-(half + 1) // (8 * NS)) * (8 * NS)

    rowd = jnp.concatenate(
        [row, jnp.full((pad_d,), N, jnp.int32)]).reshape(NW, Cd, B)
    rowg = jnp.concatenate(
        [row, jnp.zeros((pad_a,), jnp.int32)]).reshape(NS, C, B)
    cols = jnp.concatenate(
        [col, jnp.full((pad_a,), N, jnp.int32)]).reshape(NS, C, B)

    degp = _make_sc_deg(N, Cd, n_pad)(rowd)
    dp = degp[:, :N]

    BN = 512
    grid = (-(-N // BN),)
    g, dis = pl.pallas_call(
        _tc_pre_body,
        grid=grid,
        in_specs=[
            pl.BlockSpec((BN, D), lambda i: (i, 0)),
            pl.BlockSpec((D, D), lambda i: (0, 0)),
            pl.BlockSpec((1, D), lambda i: (0, 0)),
            pl.BlockSpec((2, BN), lambda i: (0, i)),
        ],
        out_specs=[
            pl.BlockSpec((BN, D), lambda i: (i, 0)),
            pl.BlockSpec((1, BN), lambda i: (0, i)),
        ],
        out_shape=[
            jax.ShapeDtypeStruct((N, D), jnp.float32),
            jax.ShapeDtypeStruct((1, N), jnp.float32),
        ],
    )(x, W, b[None, :], dp)

    accp = _make_sc_agg(N, D, C, half, rows_pad)(g, rowg, cols)
    acc = jnp.concatenate([accp[0, :half], accp[1, :N - half]], axis=0)

    out = pl.pallas_call(
        _tc_post_body,
        grid=grid,
        in_specs=[
            pl.BlockSpec((BN, D), lambda i: (i, 0)),
            pl.BlockSpec((1, BN), lambda i: (0, i)),
        ],
        out_specs=pl.BlockSpec((BN, D), lambda i: (i, 0)),
        out_shape=jax.ShapeDtypeStruct((N, D), jnp.float32),
    )(acc, dis)
    return out

# --- scband reference (transcript-rebuilt; emitter-appended) ---
"""Pipeline reference for scband-message-passing-block-8864812499249 (READ-ONLY COPY).

The authoritative reference and input builder live on the scoring server;
editing this copy changes nothing except your own understanding.
"""

import jax, jax.numpy as jnp
import numpy as np

N = 10000
E = 320000
D = 128


def setup_inputs(seed: int = 0) -> dict:
    key = jax.random.key(seed)
    k1, k2, k3, k4 = jax.random.split(key, 4)
    x = jax.random.normal(k1, (N, D), dtype=jnp.float32)
    edge_index = jax.random.randint(k2, (2, E), 0, N, dtype=jnp.int32)
    bound = 1.0 / np.sqrt(D)
    W = jax.random.uniform(k3, (D, D), dtype=jnp.float32, minval=-bound, maxval=bound)
    b = jax.random.uniform(k4, (D,), dtype=jnp.float32, minval=-bound, maxval=bound)
    return {"x": x, "edge_index": edge_index, "W": W, "b": b}


def reference(x, edge_index, W, b):
    # GCNConv (aggr='add'), num_layers=1
    # x = self.lin(x)
    h = x @ W.T + b
    row = edge_index[0]
    col = edge_index[1]
    # deg = degree(row, N); norm = deg^{-1/2}[row] * deg^{-1/2}[col]
    deg = jax.ops.segment_sum(jnp.ones((E,), dtype=h.dtype), row, num_segments=N)
    deg_inv_sqrt = jnp.power(deg, -0.5)
    norm = deg_inv_sqrt[row] * deg_inv_sqrt[col]
    # message: norm * x_j  (x_j = h gathered at source nodes = row)
    msg = norm[:, None] * h[row]
    # aggregate: scatter-add messages at target nodes (col)
    out = jax.ops.segment_sum(msg, col, num_segments=N)
    return out

if __name__ == "__main__":
    import jax
    _d = setup_inputs()
    print(jax.jit(kernel)(*tuple(_d.values())))

</pallas_src>

<mosaic_0001>
#map = affine_map<(d0, d1) -> (0, 0)>
#map1 = affine_map<(d0, d1) -> (0, 0, 0)>
module attributes {stable_mosaic.version = 14 : i64} {
  func.func @agg_kernel(%arg0: i32, %arg1: i32, %arg2: memref<10000x128xf32, #tpu.memory_space<hbm>>, %arg3: memref<16x157x128xi32, #tpu.memory_space<hbm>>, %arg4: memref<16x157x128xi32, #tpu.memory_space<hbm>>, %arg5: memref<2x5120x128xf32, #tpu.memory_space<hbm>>, %arg6: memref<157x128xi32, #tpu.memory_space<vmem>>, %arg7: memref<157x128xi32, #tpu.memory_space<vmem>>, %arg8: memref<128x128xf32, #tpu.memory_space<vmem>>, %arg9: memref<5120x128xf32, #tpu.memory_space<vmem_shared>>, %arg10: memref<!tpu.dma_semaphore, #tpu.memory_space<semaphore_mem>>, %arg11: memref<128x128xf32, #tpu.memory_space<vmem>>) attributes {dimension_semantics = [#tpu.dimension_semantics<core_parallel>, #tpu.dimension_semantics<subcore_parallel>], iteration_bounds = array<i64: 2, 16>, scalar_prefetch = 0 : i64, scratch_operands = 6 : i64, tpu.core_type = #tpu.core_type<sc_vector_subcore>, window_params = [{transform_indices = #map}, {transform_indices = #map1}, {transform_indices = #map1}, {transform_indices = #map1}]} {
    %scan3A = arith.constant 0 : i32
    %scan3A_0 = arith.constant 128 : i32
    %scan3A_1 = arith.addi %scan3A, %scan3A_0 : i32
    %scan3A_2 = arith.constant 1 : i32
    scf.for %scan3A_39 = %scan3A to %scan3A_1 step %scan3A_2  : i32 {
      %mul3A_40 = arith.constant 1 : i32
      %mul3A_41 = arith.muli %scan3A_39, %mul3A_40 : i32
      %add3A_42 = arith.constant 0 : i32
      %add3A_43 = arith.addi %add3A_42, %mul3A_41 : i32
      %broadcast_in_dim3A = arith.constant 0.000000e+00 : f32
      %broadcast_in_dim3A_44 = vector.broadcast %broadcast_in_dim3A : f32 to vector<16xf32>
      %swap3A = arith.index_cast %add3A_43 : i32 to index
      %swap3A_45 = arith.constant 0 : index
      %swap3A_46 = tpu.vector_load %arg8[%swap3A, %swap3A_45] {strides = array<i32>} : memref<128x128xf32, #tpu.memory_space<vmem>>, vector<1x16xf32>,
      %swap3A_47 = vector.shape_cast %swap3A_46 : vector<1x16xf32> to vector<16xf32>
      %swap3A_48 = vector.shape_cast %broadcast_in_dim3A_44 : vector<16xf32> to vector<1x16xf32>
      tpu.vector_store %arg8[%swap3A, %swap3A_45], %swap3A_48 {strides = array<i32>} : memref<128x128xf32, #tpu.memory_space<vmem>>, vector<1x16xf32>,
      %broadcast_in_dim3A_49 = arith.constant 0.000000e+00 : f32
      %broadcast_in_dim3A_50 = vector.broadcast %broadcast_in_dim3A_49 : f32 to vector<16xf32>
      %swap3A_51 = arith.index_cast %add3A_43 : i32 to index
      %swap3A_52 = arith.constant 16 : index
      %swap3A_53 = tpu.vector_load %arg8[%swap3A_51, %swap3A_52] {strides = array<i32>} : memref<128x128xf32, #tpu.memory_space<vmem>>, vector<1x16xf32>,
      %swap3A_54 = vector.shape_cast %swap3A_53 : vector<1x16xf32> to vector<16xf32>
      %swap3A_55 = vector.shape_cast %broadcast_in_dim3A_50 : vector<16xf32> to vector<1x16xf32>
      tpu.vector_store %arg8[%swap3A_51, %swap3A_52], %swap3A_55 {strides = array<i32>} : memref<128x128xf32, #tpu.memory_space<vmem>>, vector<1x16xf32>,
      %broadcast_in_dim3A_56 = arith.constant 0.000000e+00 : f32
      %broadcast_in_dim3A_57 = vector.broadcast %broadcast_in_dim3A_56 : f32 to vector<16xf32>
      %swap3A_58 = arith.index_cast %add3A_43 : i32 to index
      %swap3A_59 = arith.constant 32 : index
      %swap3A_60 = tpu.vector_load %arg8[%swap3A_58, %swap3A_59] {strides = array<i32>} : memref<128x128xf32, #tpu.memory_space<vmem>>, vector<1x16xf32>,
      %swap3A_61 = vector.shape_cast %swap3A_60 : vector<1x16xf32> to vector<16xf32>
      %swap3A_62 = vector.shape_cast %broadcast_in_dim3A_57 : vector<16xf32> to vector<1x16xf32>
      tpu.vector_store %arg8[%swap3A_58, %swap3A_59], %swap3A_62 {strides = array<i32>} : memref<128x128xf32, #tpu.memory_space<vmem>>, vector<1x16xf32>,
      %broadcast_in_dim3A_63 = arith.constant 0.000000e+00 : f32
      %broadcast_in_dim3A_64 = vector.broadcast %broadcast_in_dim3A_63 : f32 to vector<16xf32>
      %swap3A_65 = arith.index_cast %add3A_43 : i32 to index
      %swap3A_66 = arith.constant 48 : index
      %swap3A_67 = tpu.vector_load %arg8[%swap3A_65, %swap3A_66] {strides = array<i32>} : memref<128x128xf32, #tpu.memory_space<vmem>>, vector<1x16xf32>,
      %swap3A_68 = vector.shape_cast %swap3A_67 : vector<1x16xf32> to vector<16xf32>
      %swap3A_69 = vector.shape_cast %broadcast_in_dim3A_64 : vector<16xf32> to vector<1x16xf32>
      tpu.vector_store %arg8[%swap3A_65, %swap3A_66], %swap3A_69 {strides = array<i32>} : memref<128x128xf32, #tpu.memory_space<vmem>>, vector<1x16xf32>,
      %broadcast_in_dim3A_70 = arith.constant 0.000000e+00 : f32
      %broadcast_in_dim3A_71 = vector.broadcast %broadcast_in_dim3A_70 : f32 to vector<16xf32>
      %swap3A_72 = arith.index_cast %add3A_43 : i32 to index
      %swap3A_73 = arith.constant 64 : index
      %swap3A_74 = tpu.vector_load %arg8[%swap3A_72, %swap3A_73] {strides = array<i32>} : memref<128x128xf32, #tpu.memory_space<vmem>>, vector<1x16xf32>,
      %swap3A_75 = vector.shape_cast %swap3A_74 : vector<1x16xf32> to vector<16xf32>
      %swap3A_76 = vector.shape_cast %broadcast_in_dim3A_71 : vector<16xf32> to vector<1x16xf32>
      tpu.vector_store %arg8[%swap3A_72, %swap3A_73], %swap3A_76 {strides = array<i32>} : memref<128x128xf32, #tpu.memory_space<vmem>>, vector<1x16xf32>,
      %broadcast_in_dim3A_77 = arith.constant 0.000000e+00 : f32
      %broadcast_in_dim3A_78 = vector.broadcast %broadcast_in_dim3A_77 : f32 to vector<16xf32>
      %swap3A_79 = arith.index_cast %add3A_43 : i32 to index
      %swap3A_80 = arith.constant 80 : index
      %swap3A_81 = tpu.vector_load %arg8[%swap3A_79, %swap3A_80] {strides = array<i32>} : memref<128x128xf32, #tpu.memory_space<vmem>>, vector<1x16xf32>,
      %swap3A_82 = vector.shape_cast %swap3A_81 : vector<1x16xf32> to vector<16xf32>
      %swap3A_83 = vector.shape_cast %broadcast_in_dim3A_78 : vector<16xf32> to vector<1x16xf32>
      tpu.vector_store %arg8[%swap3A_79, %swap3A_80], %swap3A_83 {strides = array<i32>} : memref<128x128xf32, #tpu.memory_space<vmem>>, vector<1x16xf32>,
      %broadcast_in_dim3A_84 = arith.constant 0.000000e+00 : f32
      %broadcast_in_dim3A_85 = vector.broadcast %broadcast_in_dim3A_84 : f32 to vector<16xf32>
      %swap3A_86 = arith.index_cast %add3A_43 : i32 to index
      %swap3A_87 = arith.constant 96 : index
      %swap3A_88 = tpu.vector_load %arg8[%swap3A_86, %swap3A_87] {strides = array<i32>} : memref<128x128xf32, #tpu.memory_space<vmem>>, vector<1x16xf32>,
      %swap3A_89 = vector.shape_cast %swap3A_88 : vector<1x16xf32> to vector<16xf32>
      %swap3A_90 = vector.shape_cast %broadcast_in_dim3A_85 : vector<16xf32> to vector<1x16xf32>
      tpu.vector_store %arg8[%swap3A_86, %swap3A_87], %swap3A_90 {strides = array<i32>} : memref<128x128xf32, #tpu.memory_space<vmem>>, vector<1x16xf32>,
      %broadcast_in_dim3A_91 = arith.constant 0.000000e+00 : f32
      %broadcast_in_dim3A_92 = vector.broadcast %broadcast_in_dim3A_91 : f32 to vector<16xf32>
      %swap3A_93 = arith.index_cast %add3A_43 : i32 to index
      %swap3A_94 = arith.constant 112 : index
      %swap3A_95 = tpu.vector_load %arg8[%swap3A_93, %swap3A_94] {strides = array<i32>} : memref<128x128xf32, #tpu.memory_space<vmem>>, vector<1x16xf32>,
      %swap3A_96 = vector.shape_cast %swap3A_95 : vector<1x16xf32> to vector<16xf32>
      %swap3A_97 = vector.shape_cast %broadcast_in_dim3A_92 : vector<16xf32> to vector<1x16xf32>
      tpu.vector_store %arg8[%swap3A_93, %swap3A_94], %swap3A_97 {strides = array<i32>} : memref<128x128xf32, #tpu.memory_space<vmem>>, vector<1x16xf32>,
    }
    %scan3A_3 = arith.constant 128 : i32
    %mul3A = arith.constant 320 : i32
    %mul3A_4 = arith.muli %arg1, %mul3A : i32
    %add3A = arith.constant 0 : i32
    %add3A_5 = arith.addi %mul3A_4, %add3A : i32
    "tpu.region"() ({
      %run_scoped3A_39 = tpu.sem_alloc : memref<!tpu.dma_semaphore, #tpu.memory_space<semaphore_mem>>
      %dma_start3A_40 = arith.constant 0 : i32
      %dma_start3A_41 = arith.constant 0 : i32
      %dma_start3A_42 = tpu.memref_slice %arg8[%dma_start3A_40, %dma_start3A_41] : memref<128x128xf32, #tpu.memory_space<vmem>> -> memref<128x128xf32, #tpu.memory_space<vmem>>
      %dma_start3A_43 = arith.constant 0 : i32
      %dma_start3A_44 = tpu.memref_slice %arg9[%add3A_5, %dma_start3A_43] : memref<5120x128xf32, #tpu.memory_space<vmem_shared>> -> memref<128x128xf32, #tpu.memory_space<vmem_shared>>
      %dma_start3A_45 = arith.constant 0 : i32
      %dma_start3A_46 = tpu.memref_slice %arg9[%add3A_5, %dma_start3A_45] : memref<5120x128xf32, #tpu.memory_space<vmem_shared>> -> memref<128x128xf32, #tpu.memory_space<vmem_shared>>
      %dma_start3A_47 = arith.constant 0 : i32
      %dma_start3A_48 = arith.constant 0 : i32
      %dma_start3A_49 = tpu.memref_slice %arg8[%dma_start3A_47, %dma_start3A_48] : memref<128x128xf32, #tpu.memory_space<vmem>> -> memref<128x128xf32, #tpu.memory_space<vmem>>
      tpu.enqueue_dma source(%dma_start3A_49 : memref<128x128xf32, #tpu.memory_space<vmem>>) target(%dma_start3A_46 : memref<128x128xf32, #tpu.memory_space<vmem_shared>>) target_semaphore(%run_scoped3A_39 : memref<!tpu.dma_semaphore, #tpu.memory_space<semaphore_mem>>)
      %dma_wait3A_50 = arith.constant 0 : i32
      %dma_wait3A_51 = arith.constant 0 : i32
      %dma_wait3A_52 = tpu.memref_slice %arg8[%dma_wait3A_50, %dma_wait3A_51] : memref<128x128xf32, #tpu.memory_space<vmem>> -> memref<128x128xf32, #tpu.memory_space<vmem>>
      %dma_wait3A_53 = arith.constant 0 : i32
      %dma_wait3A_54 = tpu.memref_slice %arg9[%add3A_5, %dma_wait3A_53] : memref<5120x128xf32, #tpu.memory_space<vmem_shared>> -> memref<128x128xf32, #tpu.memory_space<vmem_shared>>
      %dma_wait3A_55 = arith.constant 0 : i32
      %dma_wait3A_56 = tpu.memref_slice %arg9[%add3A_5, %dma_wait3A_55] : memref<5120x128xf32, #tpu.memory_space<vmem_shared>> -> memref<128x128xf32, #tpu.memory_space<vmem_shared>>
      %dma_wait3A_57 = arith.constant 0 : i32
      %dma_wait3A_58 = arith.constant 0 : i32
      %dma_wait3A_59 = tpu.memref_slice %arg8[%dma_wait3A_57, %dma_wait3A_58] : memref<128x128xf32, #tpu.memory_space<vmem>> -> memref<128x128xf32, #tpu.memory_space<vmem>>
      tpu.wait_dma2 semaphore(%run_scoped3A_39 : memref<!tpu.dma_semaphore, #tpu.memory_space<semaphore_mem>>) src(%dma_wait3A_59 : memref<128x128xf32, #tpu.memory_space<vmem>>) dst(%dma_wait3A_56 : memref<128x128xf32, #tpu.memory_space<vmem_shared>>)
      tpu.yield
    }) : () -> ()
    %add3A_6 = arith.constant 128 : i32
    %add3A_7 = arith.addi %mul3A_4, %add3A_6 : i32
    "tpu.region"() ({
      %run_scoped3A_39 = tpu.sem_alloc : memref<!tpu.dma_semaphore, #tpu.memory_space<semaphore_mem>>
      %dma_start3A_40 = arith.constant 0 : i32
      %dma_start3A_41 = arith.constant 0 : i32
      %dma_start3A_42 = tpu.memref_slice %arg8[%dma_start3A_40, %dma_start3A_41] : memref<128x128xf32, #tpu.memory_space<vmem>> -> memref<128x128xf32, #tpu.memory_space<vmem>>
      %dma_start3A_43 = arith.constant 0 : i32
      %dma_start3A_44 = tpu.memref_slice %arg9[%add3A_7, %dma_start3A_43] : memref<5120x128xf32, #tpu.memory_space<vmem_shared>> -> memref<128x128xf32, #tpu.memory_space<vmem_shared>>
      %dma_start3A_45 = arith.constant 0 : i32
      %dma_start3A_46 = tpu.memref_slice %arg9[%add3A_7, %dma_start3A_45] : memref<5120x128xf32, #tpu.memory_space<vmem_shared>> -> memref<128x128xf32, #tpu.memory_space<vmem_shared>>
      %dma_start3A_47 = arith.constant 0 : i32
      %dma_start3A_48 = arith.constant 0 : i32
      %dma_start3A_49 = tpu.memref_slice %arg8[%dma_start3A_47, %dma_start3A_48] : memref<128x128xf32, #tpu.memory_space<vmem>> -> memref<128x128xf32, #tpu.memory_space<vmem>>
      tpu.enqueue_dma source(%dma_start3A_49 : memref<128x128xf32, #tpu.memory_space<vmem>>) target(%dma_start3A_46 : memref<128x128xf32, #tpu.memory_space<vmem_shared>>) target_semaphore(%run_scoped3A_39 : memref<!tpu.dma_semaphore, #tpu.memory_space<semaphore_mem>>)
      %dma_wait3A_50 = arith.constant 0 : i32
      %dma_wait3A_51 = arith.constant 0 : i32
      %dma_wait3A_52 = tpu.memref_slice %arg8[%dma_wait3A_50, %dma_wait3A_51] : memref<128x128xf32, #tpu.memory_space<vmem>> -> memref<128x128xf32, #tpu.memory_space<vmem>>
      %dma_wait3A_53 = arith.constant 0 : i32
      %dma_wait3A_54 = tpu.memref_slice %arg9[%add3A_7, %dma_wait3A_53] : memref<5120x128xf32, #tpu.memory_space<vmem_shared>> -> memref<128x128xf32, #tpu.memory_space<vmem_shared>>
      %dma_wait3A_55 = arith.constant 0 : i32
      %dma_wait3A_56 = tpu.memref_slice %arg9[%add3A_7, %dma_wait3A_55] : memref<5120x128xf32, #tpu.memory_space<vmem_shared>> -> memref<128x128xf32, #tpu.memory_space<vmem_shared>>
      %dma_wait3A_57 = arith.constant 0 : i32
      %dma_wait3A_58 = arith.constant 0 : i32
      %dma_wait3A_59 = tpu.memref_slice %arg8[%dma_wait3A_57, %dma_wait3A_58] : memref<128x128xf32, #tpu.memory_space<vmem>> -> memref<128x128xf32, #tpu.memory_space<vmem>>
      tpu.wait_dma2 semaphore(%run_scoped3A_39 : memref<!tpu.dma_semaphore, #tpu.memory_space<semaphore_mem>>) src(%dma_wait3A_59 : memref<128x128xf32, #tpu.memory_space<vmem>>) dst(%dma_wait3A_56 : memref<128x128xf32, #tpu.memory_space<vmem_shared>>)
      tpu.yield
    }) : () -> ()
    %add3A_8 = arith.constant 256 : i32
    %add3A_9 = arith.addi %mul3A_4, %add3A_8 : i32
    "tpu.region"() ({
      %run_scoped3A_39 = tpu.sem_alloc : memref<!tpu.dma_semaphore, #tpu.memory_space<semaphore_mem>>
      %dma_start3A_40 = arith.constant 0 : i32
      %dma_start3A_41 = arith.constant 0 : i32
      %dma_start3A_42 = tpu.memref_slice %arg8[%dma_start3A_40, %dma_start3A_41] : memref<128x128xf32, #tpu.memory_space<vmem>> -> memref<64x128xf32, #tpu.memory_space<vmem>>
      %dma_start3A_43 = arith.constant 0 : i32
      %dma_start3A_44 = tpu.memref_slice %arg9[%add3A_9, %dma_start3A_43] : memref<5120x128xf32, #tpu.memory_space<vmem_shared>> -> memref<64x128xf32, #tpu.memory_space<vmem_shared>>
      %dma_start3A_45 = arith.constant 0 : i32
      %dma_start3A_46 = tpu.memref_slice %arg9[%add3A_9, %dma_start3A_45] : memref<5120x128xf32, #tpu.memory_space<vmem_shared>> -> memref<64x128xf32, #tpu.memory_space<vmem_shared>>
      %dma_start3A_47 = arith.constant 0 : i32
      %dma_start3A_48 = arith.constant 0 : i32
      %dma_start3A_49 = tpu.memref_slice %arg8[%dma_start3A_47, %dma_start3A_48] : memref<128x128xf32, #tpu.memory_space<vmem>> -> memref<64x128xf32, #tpu.memory_space<vmem>>
      tpu.enqueue_dma source(%dma_start3A_49 : memref<64x128xf32, #tpu.memory_space<vmem>>) target(%dma_start3A_46 : memref<64x128xf32, #tpu.memory_space<vmem_shared>>) target_semaphore(%run_scoped3A_39 : memref<!tpu.dma_semaphore, #tpu.memory_space<semaphore_mem>>)
      %dma_wait3A_50 = arith.constant 0 : i32
      %dma_wait3A_51 = arith.constant 0 : i32
      %dma_wait3A_52 = tpu.memref_slice %arg8[%dma_wait3A_50, %dma_wait3A_51] : memref<128x128xf32, #tpu.memory_space<vmem>> -> memref<64x128xf32, #tpu.memory_space<vmem>>
      %dma_wait3A_53 = arith.constant 0 : i32
      %dma_wait3A_54 = tpu.memref_slice %arg9[%add3A_9, %dma_wait3A_53] : memref<5120x128xf32, #tpu.memory_space<vmem_shared>> -> memref<64x128xf32, #tpu.memory_space<vmem_shared>>
      %dma_wait3A_55 = arith.constant 0 : i32
      %dma_wait3A_56 = tpu.memref_slice %arg9[%add3A_9, %dma_wait3A_55] : memref<5120x128xf32, #tpu.memory_space<vmem_shared>> -> memref<64x128xf32, #tpu.memory_space<vmem_shared>>
      %dma_wait3A_57 = arith.constant 0 : i32
      %dma_wait3A_58 = arith.constant 0 : i32
      %dma_wait3A_59 = tpu.memref_slice %arg8[%dma_wait3A_57, %dma_wait3A_58] : memref<128x128xf32, #tpu.memory_space<vmem>> -> memref<64x128xf32, #tpu.memory_space<vmem>>
      tpu.wait_dma2 semaphore(%run_scoped3A_39 : memref<!tpu.dma_semaphore, #tpu.memory_space<semaphore_mem>>) src(%dma_wait3A_59 : memref<64x128xf32, #tpu.memory_space<vmem>>) dst(%dma_wait3A_56 : memref<64x128xf32, #tpu.memory_space<vmem_shared>>)
      tpu.yield
    }) : () -> ()
    "tpu.region"() ({
      %run_scoped3A_39 = tpu.sem_alloc : memref<!tpu.dma_semaphore, #tpu.memory_space<semaphore_mem>>
      %dma_start3A_40 = arith.constant 0 : i32
      %dma_start3A_41 = arith.constant 0 : i32
      %dma_start3A_42 = tpu.memref_slice %arg3[%arg1, %dma_start3A_40, %dma_start3A_41] : memref<16x157x128xi32, #tpu.memory_space<hbm>> -> memref<1x157x128xi32, #tpu.memory_space<hbm>>
      %dma_start3A_43 = tpu.memref_squeeze %dma_start3A_42 : memref<1x157x128xi32, #tpu.memory_space<hbm>> -> memref<157x128xi32, #tpu.memory_space<hbm>>
      %dma_start3A_44 = arith.constant 0 : i32
      %dma_start3A_45 = arith.constant 0 : i32
      %dma_start3A_46 = tpu.memref_slice %arg3[%arg1, %dma_start3A_44, %dma_start3A_45] : memref<16x157x128xi32, #tpu.memory_space<hbm>> -> memref<1x157x128xi32, #tpu.memory_space<hbm>>
      %dma_start3A_47 = tpu.memref_squeeze %dma_start3A_46 : memref<1x157x128xi32, #tpu.memory_space<hbm>> -> memref<157x128xi32, #tpu.memory_space<hbm>>
      tpu.enqueue_dma source(%dma_start3A_47 : memref<157x128xi32, #tpu.memory_space<hbm>>) target(%arg6 : memref<157x128xi32, #tpu.memory_space<vmem>>) target_semaphore(%run_scoped3A_39 : memref<!tpu.dma_semaphore, #tpu.memory_space<semaphore_mem>>)
      %dma_wait3A_48 = arith.constant 0 : i32
      %dma_wait3A_49 = arith.constant 0 : i32
      %dma_wait3A_50 = tpu.memref_slice %arg3[%arg1, %dma_wait3A_48, %dma_wait3A_49] : memref<16x157x128xi32, #tpu.memory_space<hbm>> -> memref<1x157x128xi32, #tpu.memory_space<hbm>>
      %dma_wait3A_51 = tpu.memref_squeeze %dma_wait3A_50 : memref<1x157x128xi32, #tpu.memory_space<hbm>> -> memref<157x128xi32, #tpu.memory_space<hbm>>
      %dma_wait3A_52 = arith.constant 0 : i32
      %dma_wait3A_53 = arith.constant 0 : i32
      %dma_wait3A_54 = tpu.memref_slice %arg3[%arg1, %dma_wait3A_52, %dma_wait3A_53] : memref<16x157x128xi32, #tpu.memory_space<hbm>> -> memref<1x157x128xi32, #tpu.memory_space<hbm>>
      %dma_wait3A_55 = tpu.memref_squeeze %dma_wait3A_54 : memref<1x157x128xi32, #tpu.memory_space<hbm>> -> memref<157x128xi32, #tpu.memory_space<hbm>>
      tpu.wait_dma2 semaphore(%run_scoped3A_39 : memref<!tpu.dma_semaphore, #tpu.memory_space<semaphore_mem>>) src(%dma_wait3A_55 : memref<157x128xi32, #tpu.memory_space<hbm>>) dst(%arg6 : memref<157x128xi32, #tpu.memory_space<vmem>>)
      tpu.yield
    }) : () -> ()
    "tpu.region"() ({
      %run_scoped3A_39 = tpu.sem_alloc : memref<!tpu.dma_semaphore, #tpu.memory_space<semaphore_mem>>
      %dma_start3A_40 = arith.constant 0 : i32
      %dma_start3A_41 = arith.constant 0 : i32
      %dma_start3A_42 = tpu.memref_slice %arg4[%arg1, %dma_start3A_40, %dma_start3A_41] : memref<16x157x128xi32, #tpu.memory_space<hbm>> -> memref<1x157x128xi32, #tpu.memory_space<hbm>>
      %dma_start3A_43 = tpu.memref_squeeze %dma_start3A_42 : memref<1x157x128xi32, #tpu.memory_space<hbm>> -> memref<157x128xi32, #tpu.memory_space<hbm>>
      %dma_start3A_44 = arith.constant 0 : i32
      %dma_start3A_45 = arith.constant 0 : i32
      %dma_start3A_46 = tpu.memref_slice %arg4[%arg1, %dma_start3A_44, %dma_start3A_45] : memref<16x157x128xi32, #tpu.memory_space<hbm>> -> memref<1x157x128xi32, #tpu.memory_space<hbm>>
      %dma_start3A_47 = tpu.memref_squeeze %dma_start3A_46 : memref<1x157x128xi32, #tpu.memory_space<hbm>> -> memref<157x128xi32, #tpu.memory_space<hbm>>
      tpu.enqueue_dma source(%dma_start3A_47 : memref<157x128xi32, #tpu.memory_space<hbm>>) target(%arg7 : memref<157x128xi32, #tpu.memory_space<vmem>>) target_semaphore(%run_scoped3A_39 : memref<!tpu.dma_semaphore, #tpu.memory_space<semaphore_mem>>)
      %dma_wait3A_48 = arith.constant 0 : i32
      %dma_wait3A_49 = arith.constant 0 : i32
      %dma_wait3A_50 = tpu.memref_slice %arg4[%arg1, %dma_wait3A_48, %dma_wait3A_49] : memref<16x157x128xi32, #tpu.memory_space<hbm>> -> memref<1x157x128xi32, #tpu.memory_space<hbm>>
      %dma_wait3A_51 = tpu.memref_squeeze %dma_wait3A_50 : memref<1x157x128xi32, #tpu.memory_space<hbm>> -> memref<157x128xi32, #tpu.memory_space<hbm>>
      %dma_wait3A_52 = arith.constant 0 : i32
      %dma_wait3A_53 = arith.constant 0 : i32
      %dma_wait3A_54 = tpu.memref_slice %arg4[%arg1, %dma_wait3A_52, %dma_wait3A_53] : memref<16x157x128xi32, #tpu.memory_space<hbm>> -> memref<1x157x128xi32, #tpu.memory_space<hbm>>
      %dma_wait3A_55 = tpu.memref_squeeze %dma_wait3A_54 : memref<1x157x128xi32, #tpu.memory_space<hbm>> -> memref<157x128xi32, #tpu.memory_space<hbm>>
      tpu.wait_dma2 semaphore(%run_scoped3A_39 : memref<!tpu.dma_semaphore, #tpu.memory_space<semaphore_mem>>) src(%dma_wait3A_55 : memref<157x128xi32, #tpu.memory_space<hbm>>) dst(%arg7 : memref<157x128xi32, #tpu.memory_space<vmem>>)
      tpu.yield
    }) : () -> ()
    %mul3A_10 = arith.constant 5000 : i32
    %mul3A_11 = arith.muli %arg0, %mul3A_10 : i32
    %scan3A_12 = arith.constant 0 : i32
    %scan3A_13 = arith.constant 157 : i32
    %scan3A_14 = arith.addi %scan3A_12, %scan3A_13 : i32
    %scan3A_15 = arith.constant 1 : i32
    scf.for %scan3A_39 = %scan3A_12 to %scan3A_14 step %scan3A_15  : i32 {
      %mul3A_40 = arith.constant 1 : i32
      %mul3A_41 = arith.muli %scan3A_39, %mul3A_40 : i32
      %add3A_42 = arith.constant 0 : i32
      %add3A_43 = arith.addi %add3A_42, %mul3A_41 : i32
      %get3A = arith.index_cast %add3A_43 : i32 to index
      %get3A_44 = arith.constant 0 : index
      %get3A_45 = tpu.vector_load %arg7[%get3A, %get3A_44] {strides = array<i32>} : memref<157x128xi32, #tpu.memory_space<vmem>>, vector<1x16xi32>,
      %get3A_46 = vector.shape_cast %get3A_45 : vector<1x16xi32> to vector<16xi32>
      %sub3A = vector.broadcast %mul3A_11 : i32 to vector<16xi32>
      %sub3A_47 = arith.subi %get3A_46, %sub3A : vector<16xi32>
      %ge3A = arith.constant 0 : i32
      %ge3A_48 = vector.broadcast %ge3A : i32 to vector<16xi32>
      %ge3A_49 = arith.cmpi sge, %sub3A_47, %ge3A_48 : vector<16xi32>
      %lt3A = arith.constant 5000 : i32
      %lt3A_50 = vector.broadcast %lt3A : i32 to vector<16xi32>
      %lt3A_51 = arith.cmpi slt, %sub3A_47, %lt3A_50 : vector<16xi32>
      %and3A = arith.andi %ge3A_49, %lt3A_51 : vector<16xi1>
      %jit3A = arith.constant 5000 : i32
      %broadcast_in_dim3A = vector.broadcast %jit3A : i32 to vector<16xi32>
      %select_n3A = arith.select %and3A, %sub3A_47, %broadcast_in_dim3A : vector<16xi1>, vector<16xi32>
      %swap3A = arith.index_cast %add3A_43 : i32 to index
      %swap3A_52 = arith.constant 0 : index
      %swap3A_53 = tpu.vector_load %arg7[%swap3A, %swap3A_52] {strides = array<i32>} : memref<157x128xi32, #tpu.memory_space<vmem>>, vector<1x16xi32>,
      %swap3A_54 = vector.shape_cast %swap3A_53 : vector<1x16xi32> to vector<16xi32>
      %swap3A_55 = vector.shape_cast %select_n3A : vector<16xi32> to vector<1x16xi32>
      tpu.vector_store %arg7[%swap3A, %swap3A_52], %swap3A_55 {strides = array<i32>} : memref<157x128xi32, #tpu.memory_space<vmem>>, vector<1x16xi32>,
      %get3A_56 = arith.index_cast %add3A_43 : i32 to index
      %get3A_57 = arith.constant 16 : index
      %get3A_58 = tpu.vector_load %arg7[%get3A_56, %get3A_57] {strides = array<i32>} : memref<157x128xi32, #tpu.memory_space<vmem>>, vector<1x16xi32>,
      %get3A_59 = vector.shape_cast %get3A_58 : vector<1x16xi32> to vector<16xi32>
      %sub3A_60 = vector.broadcast %mul3A_11 : i32 to vector<16xi32>
      %sub3A_61 = arith.subi %get3A_59, %sub3A_60 : vector<16xi32>
      %ge3A_62 = arith.constant 0 : i32
      %ge3A_63 = vector.broadcast %ge3A_62 : i32 to vector<16xi32>
      %ge3A_64 = arith.cmpi sge, %sub3A_61, %ge3A_63 : vector<16xi32>
      %lt3A_65 = arith.constant 5000 : i32
      %lt3A_66 = vector.broadcast %lt3A_65 : i32 to vector<16xi32>
      %lt3A_67 = arith.cmpi slt, %sub3A_61, %lt3A_66 : vector<16xi32>
      %and3A_68 = arith.andi %ge3A_64, %lt3A_67 : vector<16xi1>
      %jit3A_69 = arith.constant 5000 : i32
      %broadcast_in_dim3A_70 = vector.broadcast %jit3A_69 : i32 to vector<16xi32>
      %select_n3A_71 = arith.select %and3A_68, %sub3A_61, %broadcast_in_dim3A_70 : vector<16xi1>, vector<16xi32>
      %swap3A_72 = arith.index_cast %add3A_43 : i32 to index
      %swap3A_73 = arith.constant 16 : index
      %swap3A_74 = tpu.vector_load %arg7[%swap3A_72, %swap3A_73] {strides = array<i32>} : memref<157x128xi32, #tpu.memory_space<vmem>>, vector<1x16xi32>,
      %swap3A_75 = vector.shape_cast %swap3A_74 : vector<1x16xi32> to vector<16xi32>
      %swap3A_76 = vector.shape_cast %select_n3A_71 : vector<16xi32> to vector<1x16xi32>
      tpu.vector_store %arg7[%swap3A_72, %swap3A_73], %swap3A_76 {strides = array<i32>} : memref<157x128xi32, #tpu.memory_space<vmem>>, vector<1x16xi32>,
      %get3A_77 = arith.index_cast %add3A_43 : i32 to index
      %get3A_78 = arith.constant 32 : index
      %get3A_79 = tpu.vector_load %arg7[%get3A_77, %get3A_78] {strides = array<i32>} : memref<157x128xi32, #tpu.memory_space<vmem>>, vector<1x16xi32>,
      %get3A_80 = vector.shape_cast %get3A_79 : vector<1x16xi32> to vector<16xi32>
      %sub3A_81 = vector.broadcast %mul3A_11 : i32 to vector<16xi32>
      %sub3A_82 = arith.subi %get3A_80, %sub3A_81 : vector<16xi32>
      %ge3A_83 = arith.constant 0 : i32
      %ge3A_84 = vector.broadcast %ge3A_83 : i32 to vector<16xi32>
      %ge3A_85 = arith.cmpi sge, %sub3A_82, %ge3A_84 : vector<16xi32>
      %lt3A_86 = arith.constant 5000 : i32
      %lt3A_87 = vector.broadcast %lt3A_86 : i32 to vector<16xi32>
      %lt3A_88 = arith.cmpi slt, %sub3A_82, %lt3A_87 : vector<16xi32>
      %and3A_89 = arith.andi %ge3A_85, %lt3A_88 : vector<16xi1>
      %jit3A_90 = arith.constant 5000 : i32
      %broadcast_in_dim3A_91 = vector.broadcast %jit3A_90 : i32 to vector<16xi32>
      %select_n3A_92 = arith.select %and3A_89, %sub3A_82, %broadcast_in_dim3A_91 : vector<16xi1>, vector<16xi32>
      %swap3A_93 = arith.index_cast %add3A_43 : i32 to index
      %swap3A_94 = arith.constant 32 : index
      %swap3A_95 = tpu.vector_load %arg7[%swap3A_93, %swap3A_94] {strides = array<i32>} : memref<157x128xi32, #tpu.memory_space<vmem>>, vector<1x16xi32>,
      %swap3A_96 = vector.shape_cast %swap3A_95 : vector<1x16xi32> to vector<16xi32>
      %swap3A_97 = vector.shape_cast %select_n3A_92 : vector<16xi32> to vector<1x16xi32>
      tpu.vector_store %arg7[%swap3A_93, %swap3A_94], %swap3A_97 {strides = array<i32>} : memref<157x128xi32, #tpu.memory_space<vmem>>, vector<1x16xi32>,
      %get3A_98 = arith.index_cast %add3A_43 : i32 to index
      %get3A_99 = arith.constant 48 : index
      %get3A_100 = tpu.vector_load %arg7[%get3A_98, %get3A_99] {strides = array<i32>} : memref<157x128xi32, #tpu.memory_space<vmem>>, vector<1x16xi32>,
      %get3A_101 = vector.shape_cast %get3A_100 : vector<1x16xi32> to vector<16xi32>
      %sub3A_102 = vector.broadcast %mul3A_11 : i32 to vector<16xi32>
      %sub3A_103 = arith.subi %get3A_101, %sub3A_102 : vector<16xi32>
      %ge3A_104 = arith.constant 0 : i32
      %ge3A_105 = vector.broadcast %ge3A_104 : i32 to vector<16xi32>
      %ge3A_106 = arith.cmpi sge, %sub3A_103, %ge3A_105 : vector<16xi32>
      %lt3A_107 = arith.constant 5000 : i32
      %lt3A_108 = vector.broadcast %lt3A_107 : i32 to vector<16xi32>
      %lt3A_109 = arith.cmpi slt, %sub3A_103, %lt3A_108 : vector<16xi32>
      %and3A_110 = arith.andi %ge3A_106, %lt3A_109 : vector<16xi1>
      %jit3A_111 = arith.constant 5000 : i32
      %broadcast_in_dim3A_112 = vector.broadcast %jit3A_111 : i32 to vector<16xi32>
      %select_n3A_113 = arith.select %and3A_110, %sub3A_103, %broadcast_in_dim3A_112 : vector<16xi1>, vector<16xi32>
      %swap3A_114 = arith.index_cast %add3A_43 : i32 to index
      %swap3A_115 = arith.constant 48 : index
      %swap3A_116 = tpu.vector_load %arg7[%swap3A_114, %swap3A_115] {strides = array<i32>} : memref<157x128xi32, #tpu.memory_space<vmem>>, vector<1x16xi32>,
      %swap3A_117 = vector.shape_cast %swap3A_116 : vector<1x16xi32> to vector<16xi32>
      %swap3A_118 = vector.shape_cast %select_n3A_113 : vector<16xi32> to vector<1x16xi32>
      tpu.vector_store %arg7[%swap3A_114, %swap3A_115], %swap3A_118 {strides = array<i32>} : memref<157x128xi32, #tpu.memory_space<vmem>>, vector<1x16xi32>,
      %get3A_119 = arith.index_cast %add3A_43 : i32 to index
      %get3A_120 = arith.constant 64 : index
      %get3A_121 = tpu.vector_load %arg7[%get3A_119, %get3A_120] {strides = array<i32>} : memref<157x128xi32, #tpu.memory_space<vmem>>, vector<1x16xi32>,
      %get3A_122 = vector.shape_cast %get3A_121 : vector<1x16xi32> to vector<16xi32>
      %sub3A_123 = vector.broadcast %mul3A_11 : i32 to vector<16xi32>
      %sub3A_124 = arith.subi %get3A_122, %sub3A_123 : vector<16xi32>
      %ge3A_125 = arith.constant 0 : i32
      %ge3A_126 = vector.broadcast %ge3A_125 : i32 to vector<16xi32>
      %ge3A_127 = arith.cmpi sge, %sub3A_124, %ge3A_126 : vector<16xi32>
      %lt3A_128 = arith.constant 5000 : i32
      %lt3A_129 = vector.broadcast %lt3A_128 : i32 to vector<16xi32>
      %lt3A_130 = arith.cmpi slt, %sub3A_124, %lt3A_129 : vector<16xi32>
      %and3A_131 = arith.andi %ge3A_127, %lt3A_130 : vector<16xi1>
      %jit3A_132 = arith.constant 5000 : i32
      %broadcast_in_dim3A_133 = vector.broadcast %jit3A_132 : i32 to vector<16xi32>
      %select_n3A_134 = arith.select %and3A_131, %sub3A_124, %broadcast_in_dim3A_133 : vector<16xi1>, vector<16xi32>
      %swap3A_135 = arith.index_cast %add3A_43 : i32 to index
      %swap3A_136 = arith.constant 64 : index
      %swap3A_137 = tpu.vector_load %arg7[%swap3A_135, %swap3A_136] {strides = array<i32>} : memref<157x128xi32, #tpu.memory_space<vmem>>, vector<1x16xi32>,
      %swap3A_138 = vector.shape_cast %swap3A_137 : vector<1x16xi32> to vector<16xi32>
      %swap3A_139 = vector.shape_cast %select_n3A_134 : vector<16xi32> to vector<1x16xi32>
      tpu.vector_store %arg7[%swap3A_135, %swap3A_136], %swap3A_139 {strides = array<i32>} : memref<157x128xi32, #tpu.memory_space<vmem>>, vector<1x16xi32>,
      %get3A_140 = arith.index_cast %add3A_43 : i32 to index
      %get3A_141 = arith.constant 80 : index
      %get3A_142 = tpu.vector_load %arg7[%get3A_140, %get3A_141] {strides = array<i32>} : memref<157x128xi32, #tpu.memory_space<vmem>>, vector<1x16xi32>,
      %get3A_143 = vector.shape_cast %get3A_142 : vector<1x16xi32> to vector<16xi32>
      %sub3A_144 = vector.broadcast %mul3A_11 : i32 to vector<16xi32>
      %sub3A_145 = arith.subi %get3A_143, %sub3A_144 : vector<16xi32>
      %ge3A_146 = arith.constant 0 : i32
      %ge3A_147 = vector.broadcast %ge3A_146 : i32 to vector<16xi32>
      %ge3A_148 = arith.cmpi sge, %sub3A_145, %ge3A_147 : vector<16xi32>
      %lt3A_149 = arith.constant 5000 : i32
      %lt3A_150 = vector.broadcast %lt3A_149 : i32 to vector<16xi32>
      %lt3A_151 = arith.cmpi slt, %sub3A_145, %lt3A_150 : vector<16xi32>
      %and3A_152 = arith.andi %ge3A_148, %lt3A_151 : vector<16xi1>
      %jit3A_153 = arith.constant 5000 : i32
      %broadcast_in_dim3A_154 = vector.broadcast %jit3A_153 : i32 to vector<16xi32>
      %select_n3A_155 = arith.select %and3A_152, %sub3A_145, %broadcast_in_dim3A_154 : vector<16xi1>, vector<16xi32>
      %swap3A_156 = arith.index_cast %add3A_43 : i32 to index
      %swap3A_157 = arith.constant 80 : index
      %swap3A_158 = tpu.vector_load %arg7[%swap3A_156, %swap3A_157] {strides = array<i32>} : memref<157x128xi32, #tpu.memory_space<vmem>>, vector<1x16xi32>,
      %swap3A_159 = vector.shape_cast %swap3A_158 : vector<1x16xi32> to vector<16xi32>
      %swap3A_160 = vector.shape_cast %select_n3A_155 : vector<16xi32> to vector<1x16xi32>
      tpu.vector_store %arg7[%swap3A_156, %swap3A_157], %swap3A_160 {strides = array<i32>} : memref<157x128xi32, #tpu.memory_space<vmem>>, vector<1x16xi32>,
      %get3A_161 = arith.index_cast %add3A_43 : i32 to index
      %get3A_162 = arith.constant 96 : index
      %get3A_163 = tpu.vector_load %arg7[%get3A_161, %get3A_162] {strides = array<i32>} : memref<157x128xi32, #tpu.memory_space<vmem>>, vector<1x16xi32>,
      %get3A_164 = vector.shape_cast %get3A_163 : vector<1x16xi32> to vector<16xi32>
      %sub3A_165 = vector.broadcast %mul3A_11 : i32 to vector<16xi32>
      %sub3A_166 = arith.subi %get3A_164, %sub3A_165 : vector<16xi32>
      %ge3A_167 = arith.constant 0 : i32
      %ge3A_168 = vector.broadcast %ge3A_167 : i32 to vector<16xi32>
      %ge3A_169 = arith.cmpi sge, %sub3A_166, %ge3A_168 : vector<16xi32>
      %lt3A_170 = arith.constant 5000 : i32
      %lt3A_171 = vector.broadcast %lt3A_170 : i32 to vector<16xi32>
      %lt3A_172 = arith.cmpi slt, %sub3A_166, %lt3A_171 : vector<16xi32>
      %and3A_173 = arith.andi %ge3A_169, %lt3A_172 : vector<16xi1>
      %jit3A_174 = arith.constant 5000 : i32
      %broadcast_in_dim3A_175 = vector.broadcast %jit3A_174 : i32 to vector<16xi32>
      %select_n3A_176 = arith.select %and3A_173, %sub3A_166, %broadcast_in_dim3A_175 : vector<16xi1>, vector<16xi32>
      %swap3A_177 = arith.index_cast %add3A_43 : i32 to index
      %swap3A_178 = arith.constant 96 : index
      %swap3A_179 = tpu.vector_load %arg7[%swap3A_177, %swap3A_178] {strides = array<i32>} : memref<157x128xi32, #tpu.memory_space<vmem>>, vector<1x16xi32>,
      %swap3A_180 = vector.shape_cast %swap3A_179 : vector<1x16xi32> to vector<16xi32>
      %swap3A_181 = vector.shape_cast %select_n3A_176 : vector<16xi32> to vector<1x16xi32>
      tpu.vector_store %arg7[%swap3A_177, %swap3A_178], %swap3A_181 {strides = array<i32>} : memref<157x128xi32, #tpu.memory_space<vmem>>, vector<1x16xi32>,
      %get3A_182 = arith.index_cast %add3A_43 : i32 to index
      %get3A_183 = arith.constant 112 : index
      %get3A_184 = tpu.vector_load %arg7[%get3A_182, %get3A_183] {strides = array<i32>} : memref<157x128xi32, #tpu.memory_space<vmem>>, vector<1x16xi32>,
      %get3A_185 = vector.shape_cast %get3A_184 : vector<1x16xi32> to vector<16xi32>
      %sub3A_186 = vector.broadcast %mul3A_11 : i32 to vector<16xi32>
      %sub3A_187 = arith.subi %get3A_185, %sub3A_186 : vector<16xi32>
      %ge3A_188 = arith.constant 0 : i32
      %ge3A_189 = vector.broadcast %ge3A_188 : i32 to vector<16xi32>
      %ge3A_190 = arith.cmpi sge, %sub3A_187, %ge3A_189 : vector<16xi32>
      %lt3A_191 = arith.constant 5000 : i32
      %lt3A_192 = vector.broadcast %lt3A_191 : i32 to vector<16xi32>
      %lt3A_193 = arith.cmpi slt, %sub3A_187, %lt3A_192 : vector<16xi32>
      %and3A_194 = arith.andi %ge3A_190, %lt3A_193 : vector<16xi1>
      %jit3A_195 = arith.constant 5000 : i32
      %broadcast_in_dim3A_196 = vector.broadcast %jit3A_195 : i32 to vector<16xi32>
      %select_n3A_197 = arith.select %and3A_194, %sub3A_187, %broadcast_in_dim3A_196 : vector<16xi1>, vector<16xi32>
      %swap3A_198 = arith.index_cast %add3A_43 : i32 to index
      %swap3A_199 = arith.constant 112 : index
      %swap3A_200 = tpu.vector_load %arg7[%swap3A_198, %swap3A_199] {strides = array<i32>} : memref<157x128xi32, #tpu.memory_space<vmem>>, vector<1x16xi32>,
      %swap3A_201 = vector.shape_cast %swap3A_200 : vector<1x16xi32> to vector<16xi32>
      %swap3A_202 = vector.shape_cast %select_n3A_197 : vector<16xi32> to vector<1x16xi32>
      tpu.vector_store %arg7[%swap3A_198, %swap3A_199], %swap3A_202 {strides = array<i32>} : memref<157x128xi32, #tpu.memory_space<vmem>>, vector<1x16xi32>,
    }
    %scan3A_16 = arith.constant 157 : i32
    %barrier3A = arith.constant 0 : index
    tpu.barrier barrier_id(%barrier3A)
    %scan3A_17 = arith.constant 0 : i32
    %scan3A_18 = arith.constant 78 : i32
    %scan3A_19 = arith.addi %scan3A_17, %scan3A_18 : i32
    %scan3A_20 = arith.constant 1 : i32
    scf.for %scan3A_39 = %scan3A_17 to %scan3A_19 step %scan3A_20  : i32 {
      %mul3A_40 = arith.constant 1 : i32
      %mul3A_41 = arith.muli %scan3A_39, %mul3A_40 : i32
      %add3A_42 = arith.constant 0 : i32
      %add3A_43 = arith.addi %add3A_42, %mul3A_41 : i32
      %mul3A_44 = arith.constant 2 : i32
      %mul3A_45 = arith.muli %mul3A_44, %add3A_43 : i32
      %dma_start3A_46 = arith.constant 0 : i32
      %dma_start3A_47 = tpu.memref_slice %arg6[%mul3A_45, %dma_start3A_46] : memref<157x128xi32, #tpu.memory_space<vmem>> -> memref<1x128xi32, #tpu.memory_space<vmem>>
      %dma_start3A_48 = tpu.memref_squeeze %dma_start3A_47 : memref<1x128xi32, #tpu.memory_space<vmem>> -> memref<128xi32, #tpu.memory_space<vmem>>
      %dma_start3A_49 = arith.constant 0 : i32
      %dma_start3A_50 = arith.constant 0 : i32
      %dma_start3A_51 = tpu.memref_slice %arg2[%dma_start3A_49, %dma_start3A_50] : memref<10000x128xf32, #tpu.memory_space<hbm>> -> memref<10000x128xf32, #tpu.memory_space<hbm>>
      tpu.enqueue_indirect_dma source(%dma_start3A_51 : memref<10000x128xf32, #tpu.memory_space<hbm>>) target(%arg8 : memref<128x128xf32, #tpu.memory_space<vmem>>) offsets(%dma_start3A_48 : memref<128xi32, #tpu.memory_space<vmem>>) semaphore(%arg10 : memref<!tpu.dma_semaphore, #tpu.memory_space<semaphore_mem>>)
      %add3A_52 = arith.constant 1 : i32
      %add3A_53 = arith.addi %mul3A_45, %add3A_52 : i32
      %dma_start3A_54 = arith.constant 0 : i32
      %dma_start3A_55 = tpu.memref_slice %arg6[%add3A_53, %dma_start3A_54] : memref<157x128xi32, #tpu.memory_space<vmem>> -> memref<1x128xi32, #tpu.memory_space<vmem>>
      %dma_start3A_56 = tpu.memref_squeeze %dma_start3A_55 : memref<1x128xi32, #tpu.memory_space<vmem>> -> memref<128xi32, #tpu.memory_space<vmem>>
      %dma_start3A_57 = arith.constant 0 : i32
      %dma_start3A_58 = arith.constant 0 : i32
      %dma_start3A_59 = tpu.memref_slice %arg2[%dma_start3A_57, %dma_start3A_58] : memref<10000x128xf32, #tpu.memory_space<hbm>> -> memref<10000x128xf32, #tpu.memory_space<hbm>>
      tpu.enqueue_indirect_dma source(%dma_start3A_59 : memref<10000x128xf32, #tpu.memory_space<hbm>>) target(%arg11 : memref<128x128xf32, #tpu.memory_space<vmem>>) offsets(%dma_start3A_56 : memref<128xi32, #tpu.memory_space<vmem>>) semaphore(%arg10 : memref<!tpu.dma_semaphore, #tpu.memory_space<semaphore_mem>>)
      %dma_wait3A_60 = arith.constant 0 : i32
      %dma_wait3A_61 = tpu.memref_slice %arg6[%mul3A_45, %dma_wait3A_60] : memref<157x128xi32, #tpu.memory_space<vmem>> -> memref<1x128xi32, #tpu.memory_space<vmem>>
      %dma_wait3A_62 = tpu.memref_squeeze %dma_wait3A_61 : memref<1x128xi32, #tpu.memory_space<vmem>> -> memref<128xi32, #tpu.memory_space<vmem>>
      %dma_wait3A_63 = arith.constant 0 : i32
      %dma_wait3A_64 = arith.constant 0 : i32
      %dma_wait3A_65 = tpu.memref_slice %arg2[%dma_wait3A_63, %dma_wait3A_64] : memref<10000x128xf32, #tpu.memory_space<hbm>> -> memref<10000x128xf32, #tpu.memory_space<hbm>>
      tpu.wait_indirect_dma semaphore(%arg10 : memref<!tpu.dma_semaphore, #tpu.memory_space<semaphore_mem>>) src(%dma_wait3A_65 : memref<10000x128xf32, #tpu.memory_space<hbm>>) dst(%arg8 : memref<128x128xf32, #tpu.memory_space<vmem>>)
      %dma_wait3A_66 = arith.constant 0 : i32
      %dma_wait3A_67 = tpu.memref_slice %arg6[%add3A_53, %dma_wait3A_66] : memref<157x128xi32, #tpu.memory_space<vmem>> -> memref<1x128xi32, #tpu.memory_space<vmem>>
      %dma_wait3A_68 = tpu.memref_squeeze %dma_wait3A_67 : memref<1x128xi32, #tpu.memory_space<vmem>> -> memref<128xi32, #tpu.memory_space<vmem>>
      %dma_wait3A_69 = arith.constant 0 : i32
      %dma_wait3A_70 = arith.constant 0 : i32
      %dma_wait3A_71 = tpu.memref_slice %arg2[%dma_wait3A_69, %dma_wait3A_70] : memref<10000x128xf32, #tpu.memory_space<hbm>> -> memref<10000x128xf32, #tpu.memory_space<hbm>>
      tpu.wait_indirect_dma semaphore(%arg10 : memref<!tpu.dma_semaphore, #tpu.memory_space<semaphore_mem>>) src(%dma_wait3A_71 : memref<10000x128xf32, #tpu.memory_space<hbm>>) dst(%arg11 : memref<128x128xf32, #tpu.memory_space<vmem>>)
      %dma_start3A_72 = arith.constant 0 : i32
      %dma_start3A_73 = tpu.memref_slice %arg7[%mul3A_45, %dma_start3A_72] : memref<157x128xi32, #tpu.memory_space<vmem>> -> memref<1x128xi32, #tpu.memory_space<vmem>>
      %dma_start3A_74 = tpu.memref_squeeze %dma_start3A_73 : memref<1x128xi32, #tpu.memory_space<vmem>> -> memref<128xi32, #tpu.memory_space<vmem>>
      %dma_start3A_75 = arith.constant 0 : i32
      %dma_start3A_76 = arith.constant 0 : i32
      %dma_start3A_77 = tpu.memref_slice %arg9[%dma_start3A_75, %dma_start3A_76] : memref<5120x128xf32, #tpu.memory_space<vmem_shared>> -> memref<5120x128xf32, #tpu.memory_space<vmem_shared>>
      tpu.enqueue_indirect_dma source(%arg8 : memref<128x128xf32, #tpu.memory_space<vmem>>) target(%dma_start3A_77 : memref<5120x128xf32, #tpu.memory_space<vmem_shared>>) offsets(%dma_start3A_74 : memref<128xi32, #tpu.memory_space<vmem>>) semaphore(%arg10 : memref<!tpu.dma_semaphore, #tpu.memory_space<semaphore_mem>>) {add = true}
      %add3A_78 = arith.constant 1 : i32
      %add3A_79 = arith.addi %mul3A_45, %add3A_78 : i32
      %dma_start3A_80 = arith.constant 0 : i32
      %dma_start3A_81 = tpu.memref_slice %arg7[%add3A_79, %dma_start3A_80] : memref<157x128xi32, #tpu.memory_space<vmem>> -> memref<1x128xi32, #tpu.memory_space<vmem>>
      %dma_start3A_82 = tpu.memref_squeeze %dma_start3A_81 : memref<1x128xi32, #tpu.memory_space<vmem>> -> memref<128xi32, #tpu.memory_space<vmem>>
      %dma_start3A_83 = arith.constant 0 : i32
      %dma_start3A_84 = arith.constant 0 : i32
      %dma_start3A_85 = tpu.memref_slice %arg9[%dma_start3A_83, %dma_start3A_84] : memref<5120x128xf32, #tpu.memory_space<vmem_shared>> -> memref<5120x128xf32, #tpu.memory_space<vmem_shared>>
      tpu.enqueue_indirect_dma source(%arg11 : memref<128x128xf32, #tpu.memory_space<vmem>>) target(%dma_start3A_85 : memref<5120x128xf32, #tpu.memory_space<vmem_shared>>) offsets(%dma_start3A_82 : memref<128xi32, #tpu.memory_space<vmem>>) semaphore(%arg10 : memref<!tpu.dma_semaphore, #tpu.memory_space<semaphore_mem>>) {add = true}
      %dma_wait3A_86 = arith.constant 0 : i32
      %dma_wait3A_87 = tpu.memref_slice %arg7[%mul3A_45, %dma_wait3A_86] : memref<157x128xi32, #tpu.memory_space<vmem>> -> memref<1x128xi32, #tpu.memory_space<vmem>>
      %dma_wait3A_88 = tpu.memref_squeeze %dma_wait3A_87 : memref<1x128xi32, #tpu.memory_space<vmem>> -> memref<128xi32, #tpu.memory_space<vmem>>
      %dma_wait3A_89 = arith.constant 0 : i32
      %dma_wait3A_90 = arith.constant 0 : i32
      %dma_wait3A_91 = tpu.memref_slice %arg9[%dma_wait3A_89, %dma_wait3A_90] : memref<5120x128xf32, #tpu.memory_space<vmem_shared>> -> memref<5120x128xf32, #tpu.memory_space<vmem_shared>>
      tpu.wait_indirect_dma semaphore(%arg10 : memref<!tpu.dma_semaphore, #tpu.memory_space<semaphore_mem>>) src(%arg8 : memref<128x128xf32, #tpu.memory_space<vmem>>) dst(%dma_wait3A_91 : memref<5120x128xf32, #tpu.memory_space<vmem_shared>>)
      %dma_wait3A_92 = arith.constant 0 : i32
      %dma_wait3A_93 = tpu.memref_slice %arg7[%add3A_79, %dma_wait3A_92] : memref<157x128xi32, #tpu.memory_space<vmem>> -> memref<1x128xi32, #tpu.memory_space<vmem>>
      %dma_wait3A_94 = tpu.memref_squeeze %dma_wait3A_93 : memref<1x128xi32, #tpu.memory_space<vmem>> -> memref<128xi32, #tpu.memory_space<vmem>>
      %dma_wait3A_95 = arith.constant 0 : i32
      %dma_wait3A_96 = arith.constant 0 : i32
      %dma_wait3A_97 = tpu.memref_slice %arg9[%dma_wait3A_95, %dma_wait3A_96] : memref<5120x128xf32, #tpu.memory_space<vmem_shared>> -> memref<5120x128xf32, #tpu.memory_space<vmem_shared>>
      tpu.wait_indirect_dma semaphore(%arg10 : memref<!tpu.dma_semaphore, #tpu.memory_space<semaphore_mem>>) src(%arg11 : memref<128x128xf32, #tpu.memory_space<vmem>>) dst(%dma_wait3A_97 : memref<5120x128xf32, #tpu.memory_space<vmem_shared>>)
    }
    %scan3A_21 = arith.constant 78 : i32
    %dma_start3A = arith.constant 156 : i32
    %dma_start3A_22 = arith.constant 0 : i32
    %dma_start3A_23 = tpu.memref_slice %arg6[%dma_start3A, %dma_start3A_22] : memref<157x128xi32, #tpu.memory_space<vmem>> -> memref<1x128xi32, #tpu.memory_space<vmem>>
    %dma_start3A_24 = tpu.memref_squeeze %dma_start3A_23 : memref<1x128xi32, #tpu.memory_space<vmem>> -> memref<128xi32, #tpu.memory_space<vmem>>
    %dma_start3A_25 = arith.constant 0 : i32
    %dma_start3A_26 = arith.constant 0 : i32
    %dma_start3A_27 = tpu.memref_slice %arg2[%dma_start3A_25, %dma_start3A_26] : memref<10000x128xf32, #tpu.memory_space<hbm>> -> memref<10000x128xf32, #tpu.memory_space<hbm>>
    tpu.enqueue_indirect_dma source(%dma_start3A_27 : memref<10000x128xf32, #tpu.memory_space<hbm>>) target(%arg8 : memref<128x128xf32, #tpu.memory_space<vmem>>) offsets(%dma_start3A_24 : memref<128xi32, #tpu.memory_space<vmem>>) semaphore(%arg10 : memref<!tpu.dma_semaphore, #tpu.memory_space<semaphore_mem>>)
    %dma_wait3A = arith.constant 156 : i32
    %dma_wait3A_28 = arith.constant 0 : i32
    %dma_wait3A_29 = tpu.memref_slice %arg6[%dma_wait3A, %dma_wait3A_28] : memref<157x128xi32, #tpu.memory_space<vmem>> -> memref<1x128xi32, #tpu.memory_space<vmem>>
    %dma_wait3A_30 = tpu.memref_squeeze %dma_wait3A_29 : memref<1x128xi32, #tpu.memory_space<vmem>> -> memref<128xi32, #tpu.memory_space<vmem>>
    %dma_wait3A_31 = arith.constant 0 : i32
    %dma_wait3A_32 = arith.constant 0 : i32
    %dma_wait3A_33 = tpu.memref_slice %arg2[%dma_wait3A_31, %dma_wait3A_32] : memref<10000x128xf32, #tpu.memory_space<hbm>> -> memref<10000x128xf32, #tpu.memory_space<hbm>>
    tpu.wait_indirect_dma semaphore(%arg10 : memref<!tpu.dma_semaphore, #tpu.memory_space<semaphore_mem>>) src(%dma_wait3A_33 : memref<10000x128xf32, #tpu.memory_space<hbm>>) dst(%arg8 : memref<128x128xf32, #tpu.memory_space<vmem>>)
    %run_scoped3A = arith.constant 156 : i32
    "tpu.region"() ({
      %run_scoped3A_39 = tpu.sem_alloc : memref<!tpu.dma_semaphore, #tpu.memory_space<semaphore_mem>>
      %dma_start3A_40 = arith.constant 0 : i32
      %dma_start3A_41 = tpu.memref_slice %arg7[%run_scoped3A, %dma_start3A_40] : memref<157x128xi32, #tpu.memory_space<vmem>> -> memref<1x128xi32, #tpu.memory_space<vmem>>
      %dma_start3A_42 = tpu.memref_squeeze %dma_start3A_41 : memref<1x128xi32, #tpu.memory_space<vmem>> -> memref<128xi32, #tpu.memory_space<vmem>>
      %dma_start3A_43 = arith.constant 0 : i32
      %dma_start3A_44 = arith.constant 0 : i32
      %dma_start3A_45 = tpu.memref_slice %arg9[%dma_start3A_43, %dma_start3A_44] : memref<5120x128xf32, #tpu.memory_space<vmem_shared>> -> memref<5120x128xf32, #tpu.memory_space<vmem_shared>>
      tpu.enqueue_indirect_dma source(%arg8 : memref<128x128xf32, #tpu.memory_space<vmem>>) target(%dma_start3A_45 : memref<5120x128xf32, #tpu.memory_space<vmem_shared>>) offsets(%dma_start3A_42 : memref<128xi32, #tpu.memory_space<vmem>>) semaphore(%run_scoped3A_39 : memref<!tpu.dma_semaphore, #tpu.memory_space<semaphore_mem>>) {add = true}
      %dma_wait3A_46 = arith.constant 0 : i32
      %dma_wait3A_47 = tpu.memref_slice %arg7[%run_scoped3A, %dma_wait3A_46] : memref<157x128xi32, #tpu.memory_space<vmem>> -> memref<1x128xi32, #tpu.memory_space<vmem>>
      %dma_wait3A_48 = tpu.memref_squeeze %dma_wait3A_47 : memref<1x128xi32, #tpu.memory_space<vmem>> -> memref<128xi32, #tpu.memory_space<vmem>>
      %dma_wait3A_49 = arith.constant 0 : i32
      %dma_wait3A_50 = arith.constant 0 : i32
      %dma_wait3A_51 = tpu.memref_slice %arg9[%dma_wait3A_49, %dma_wait3A_50] : memref<5120x128xf32, #tpu.memory_space<vmem_shared>> -> memref<5120x128xf32, #tpu.memory_space<vmem_shared>>
      tpu.wait_indirect_dma semaphore(%run_scoped3A_39 : memref<!tpu.dma_semaphore, #tpu.memory_space<semaphore_mem>>) src(%arg8 : memref<128x128xf32, #tpu.memory_space<vmem>>) dst(%dma_wait3A_51 : memref<5120x128xf32, #tpu.memory_space<vmem_shared>>)
      tpu.yield
    }) : () -> ()
    %barrier3A_34 = arith.constant 0 : index
    tpu.barrier barrier_id(%barrier3A_34)
    %mul3A_35 = arith.constant 320 : i32
    %mul3A_36 = arith.muli %arg1, %mul3A_35 : i32
    %mul3A_37 = arith.constant 320 : i32
    %mul3A_38 = arith.muli %arg1, %mul3A_37 : i32
    "tpu.region"() ({
      %run_scoped3A_39 = tpu.sem_alloc : memref<!tpu.dma_semaphore, #tpu.memory_space<semaphore_mem>>
      %dma_start3A_40 = arith.constant 0 : i32
      %dma_start3A_41 = tpu.memref_slice %arg5[%arg0, %mul3A_38, %dma_start3A_40] : memref<2x5120x128xf32, #tpu.memory_space<hbm>> -> memref<1x320x128xf32, #tpu.memory_space<hbm>>
      %dma_start3A_42 = tpu.memref_squeeze %dma_start3A_41 : memref<1x320x128xf32, #tpu.memory_space<hbm>> -> memref<320x128xf32, #tpu.memory_space<hbm>>
      %dma_start3A_43 = arith.constant 0 : i32
      %dma_start3A_44 = tpu.memref_slice %arg9[%mul3A_36, %dma_start3A_43] : memref<5120x128xf32, #tpu.memory_space<vmem_shared>> -> memref<320x128xf32, #tpu.memory_space<vmem_shared>>
      tpu.enqueue_dma source(%dma_start3A_44 : memref<320x128xf32, #tpu.memory_space<vmem_shared>>) target(%dma_start3A_42 : memref<320x128xf32, #tpu.memory_space<hbm>>) target_semaphore(%run_scoped3A_39 : memref<!tpu.dma_semaphore, #tpu.memory_space<semaphore_mem>>)
      %dma_wait3A_45 = arith.constant 0 : i32
      %dma_wait3A_46 = tpu.memref_slice %arg5[%arg0, %mul3A_38, %dma_wait3A_45] : memref<2x5120x128xf32, #tpu.memory_space<hbm>> -> memref<1x320x128xf32, #tpu.memory_space<hbm>>
      %dma_wait3A_47 = tpu.memref_squeeze %dma_wait3A_46 : memref<1x320x128xf32, #tpu.memory_space<hbm>> -> memref<320x128xf32, #tpu.memory_space<hbm>>
      %dma_wait3A_48 = arith.constant 0 : i32
      %dma_wait3A_49 = tpu.memref_slice %arg9[%mul3A_36, %dma_wait3A_48] : memref<5120x128xf32, #tpu.memory_space<vmem_shared>> -> memref<320x128xf32, #tpu.memory_space<vmem_shared>>
      tpu.wait_dma2 semaphore(%run_scoped3A_39 : memref<!tpu.dma_semaphore, #tpu.memory_space<semaphore_mem>>) src(%dma_wait3A_49 : memref<320x128xf32, #tpu.memory_space<vmem_shared>>) dst(%dma_wait3A_47 : memref<320x128xf32, #tpu.memory_space<hbm>>)
      tpu.yield
    }) : () -> ()
    return
  }
}

#map = affine_map<(d0, d1) -> (0, 0, 0)>
#map1 = affine_map<(d0, d1) -> (0, 0)>
module attributes {stable_mosaic.version = 14 : i64} {
  func.func @deg_kernel(%arg0: i32, %arg1: i32, %arg2: memref<32x79x128xi32, #tpu.memory_space<hbm>>, %arg3: memref<2x10240xf32, #tpu.memory_space<hbm>>, %arg4: memref<79x128xi32, #tpu.memory_space<vmem>>, %arg5: memref<128xf32, #tpu.memory_space<vmem>>, %arg6: memref<640xf32, #tpu.memory_space<vmem>>, %arg7: memref<10240xf32, #tpu.memory_space<vmem_shared>>) attributes {dimension_semantics = [#tpu.dimension_semantics<core_parallel>, #tpu.dimension_semantics<subcore_parallel>], iteration_bounds = array<i64: 2, 16>, scalar_prefetch = 0 : i64, scratch_operands = 4 : i64, tpu.core_type = #tpu.core_type<sc_vector_subcore>, window_params = [{transform_indices = #map}, {transform_indices = #map1}]} {
    %mul3A = arith.constant 16 : i32
    %mul3A_0 = arith.muli %arg0, %mul3A : i32
    %add3A = arith.addi %mul3A_0, %arg1 : i32
    %scan3A = arith.constant 0 : i32
    %scan3A_1 = arith.constant 40 : i32
    %scan3A_2 = arith.addi %scan3A, %scan3A_1 : i32
    %scan3A_3 = arith.constant 1 : i32
    scf.for %scan3A_22 = %scan3A to %scan3A_2 step %scan3A_3  : i32 {
      %mul3A_23 = arith.constant 1 : i32
      %mul3A_24 = arith.muli %scan3A_22, %mul3A_23 : i32
      %add3A_25 = arith.constant 0 : i32
      %add3A_26 = arith.addi %add3A_25, %mul3A_24 : i32
      %broadcast_in_dim3A = arith.constant 0.000000e+00 : f32
      %broadcast_in_dim3A_27 = vector.broadcast %broadcast_in_dim3A : f32 to vector<16xf32>
      %mul3A_28 = arith.constant 16 : i32
      %mul3A_29 = arith.muli %add3A_26, %mul3A_28 : i32
      %swap3A = arith.index_cast %mul3A_29 : i32 to index
      %swap3A_30 = tpu.vector_load %arg6[%swap3A] {strides = array<i32>} : memref<640xf32, #tpu.memory_space<vmem>>, vector<16xf32>,
      %swap3A_31 = vector.shape_cast %swap3A_30 : vector<16xf32> to vector<16xf32>
      %swap3A_32 = vector.shape_cast %broadcast_in_dim3A_27 : vector<16xf32> to vector<16xf32>
      tpu.vector_store %arg6[%swap3A], %swap3A_32 {strides = array<i32>} : memref<640xf32, #tpu.memory_space<vmem>>, vector<16xf32>,
    }
    %scan3A_4 = arith.constant 40 : i32
    %scan3A_5 = arith.constant 0 : i32
    %scan3A_6 = arith.constant 8 : i32
    %scan3A_7 = arith.addi %scan3A_5, %scan3A_6 : i32
    %scan3A_8 = arith.constant 1 : i32
    scf.for %scan3A_22 = %scan3A_5 to %scan3A_7 step %scan3A_8  : i32 {
      %mul3A_23 = arith.constant 1 : i32
      %mul3A_24 = arith.muli %scan3A_22, %mul3A_23 : i32
      %add3A_25 = arith.constant 0 : i32
      %add3A_26 = arith.addi %add3A_25, %mul3A_24 : i32
      %broadcast_in_dim3A = arith.constant 1.000000e+00 : f32
      %broadcast_in_dim3A_27 = vector.broadcast %broadcast_in_dim3A : f32 to vector<16xf32>
      %mul3A_28 = arith.constant 16 : i32
      %mul3A_29 = arith.muli %add3A_26, %mul3A_28 : i32
      %swap3A = arith.index_cast %mul3A_29 : i32 to index
      %swap3A_30 = tpu.vector_load %arg5[%swap3A] {strides = array<i32>} : memref<128xf32, #tpu.memory_space<vmem>>, vector<16xf32>,
      %swap3A_31 = vector.shape_cast %swap3A_30 : vector<16xf32> to vector<16xf32>
      %swap3A_32 = vector.shape_cast %broadcast_in_dim3A_27 : vector<16xf32> to vector<16xf32>
      tpu.vector_store %arg5[%swap3A], %swap3A_32 {strides = array<i32>} : memref<128xf32, #tpu.memory_space<vmem>>, vector<16xf32>,
    }
    %scan3A_9 = arith.constant 8 : i32
    %mul3A_10 = arith.constant 640 : i32
    %mul3A_11 = arith.muli %arg1, %mul3A_10 : i32
    "tpu.region"() ({
      %run_scoped3A = tpu.sem_alloc : memref<!tpu.dma_semaphore, #tpu.memory_space<semaphore_mem>>
      %dma_start3A = tpu.memref_slice %arg7[%mul3A_11] : memref<10240xf32, #tpu.memory_space<vmem_shared>> -> memref<640xf32, #tpu.memory_space<vmem_shared>>
      %dma_start3A_22 = tpu.memref_slice %arg7[%mul3A_11] : memref<10240xf32, #tpu.memory_space<vmem_shared>> -> memref<640xf32, #tpu.memory_space<vmem_shared>>
      tpu.enqueue_dma source(%arg6 : memref<640xf32, #tpu.memory_space<vmem>>) target(%dma_start3A_22 : memref<640xf32, #tpu.memory_space<vmem_shared>>) target_semaphore(%run_scoped3A : memref<!tpu.dma_semaphore, #tpu.memory_space<semaphore_mem>>)
      %dma_wait3A = tpu.memref_slice %arg7[%mul3A_11] : memref<10240xf32, #tpu.memory_space<vmem_shared>> -> memref<640xf32, #tpu.memory_space<vmem_shared>>
      %dma_wait3A_23 = tpu.memref_slice %arg7[%mul3A_11] : memref<10240xf32, #tpu.memory_space<vmem_shared>> -> memref<640xf32, #tpu.memory_space<vmem_shared>>
      tpu.wait_dma2 semaphore(%run_scoped3A : memref<!tpu.dma_semaphore, #tpu.memory_space<semaphore_mem>>) src(%arg6 : memref<640xf32, #tpu.memory_space<vmem>>) dst(%dma_wait3A_23 : memref<640xf32, #tpu.memory_space<vmem_shared>>)
      tpu.yield
    }) : () -> ()
    %barrier3A = arith.constant 0 : index
    tpu.barrier barrier_id(%barrier3A)
    "tpu.region"() ({
      %run_scoped3A = tpu.sem_alloc : memref<!tpu.dma_semaphore, #tpu.memory_space<semaphore_mem>>
      %dma_start3A = arith.constant 0 : i32
      %dma_start3A_22 = arith.constant 0 : i32
      %dma_start3A_23 = tpu.memref_slice %arg2[%add3A, %dma_start3A, %dma_start3A_22] : memref<32x79x128xi32, #tpu.memory_space<hbm>> -> memref<1x79x128xi32, #tpu.memory_space<hbm>>
      %dma_start3A_24 = tpu.memref_squeeze %dma_start3A_23 : memref<1x79x128xi32, #tpu.memory_space<hbm>> -> memref<79x128xi32, #tpu.memory_space<hbm>>
      %dma_start3A_25 = arith.constant 0 : i32
      %dma_start3A_26 = arith.constant 0 : i32
      %dma_start3A_27 = tpu.memref_slice %arg2[%add3A, %dma_start3A_25, %dma_start3A_26] : memref<32x79x128xi32, #tpu.memory_space<hbm>> -> memref<1x79x128xi32, #tpu.memory_space<hbm>>
      %dma_start3A_28 = tpu.memref_squeeze %dma_start3A_27 : memref<1x79x128xi32, #tpu.memory_space<hbm>> -> memref<79x128xi32, #tpu.memory_space<hbm>>
      tpu.enqueue_dma source(%dma_start3A_28 : memref<79x128xi32, #tpu.memory_space<hbm>>) target(%arg4 : memref<79x128xi32, #tpu.memory_space<vmem>>) target_semaphore(%run_scoped3A : memref<!tpu.dma_semaphore, #tpu.memory_space<semaphore_mem>>)
      %dma_wait3A = arith.constant 0 : i32
      %dma_wait3A_29 = arith.constant 0 : i32
      %dma_wait3A_30 = tpu.memref_slice %arg2[%add3A, %dma_wait3A, %dma_wait3A_29] : memref<32x79x128xi32, #tpu.memory_space<hbm>> -> memref<1x79x128xi32, #tpu.memory_space<hbm>>
      %dma_wait3A_31 = tpu.memref_squeeze %dma_wait3A_30 : memref<1x79x128xi32, #tpu.memory_space<hbm>> -> memref<79x128xi32, #tpu.memory_space<hbm>>
      %dma_wait3A_32 = arith.constant 0 : i32
      %dma_wait3A_33 = arith.constant 0 : i32
      %dma_wait3A_34 = tpu.memref_slice %arg2[%add3A, %dma_wait3A_32, %dma_wait3A_33] : memref<32x79x128xi32, #tpu.memory_space<hbm>> -> memref<1x79x128xi32, #tpu.memory_space<hbm>>
      %dma_wait3A_35 = tpu.memref_squeeze %dma_wait3A_34 : memref<1x79x128xi32, #tpu.memory_space<hbm>> -> memref<79x128xi32, #tpu.memory_space<hbm>>
      tpu.wait_dma2 semaphore(%run_scoped3A : memref<!tpu.dma_semaphore, #tpu.memory_space<semaphore_mem>>) src(%dma_wait3A_35 : memref<79x128xi32, #tpu.memory_space<hbm>>) dst(%arg4 : memref<79x128xi32, #tpu.memory_space<vmem>>)
      tpu.yield
    }) : () -> ()
    %scan3A_12 = arith.constant 0 : i32
    %scan3A_13 = arith.constant 79 : i32
    %scan3A_14 = arith.addi %scan3A_12, %scan3A_13 : i32
    %scan3A_15 = arith.constant 1 : i32
    scf.for %scan3A_22 = %scan3A_12 to %scan3A_14 step %scan3A_15  : i32 {
      %mul3A_23 = arith.constant 1 : i32
      %mul3A_24 = arith.muli %scan3A_22, %mul3A_23 : i32
      %add3A_25 = arith.constant 0 : i32
      %add3A_26 = arith.addi %add3A_25, %mul3A_24 : i32
      "tpu.region"() ({
        %run_scoped3A = tpu.sem_alloc : memref<!tpu.dma_semaphore, #tpu.memory_space<semaphore_mem>>
        %dma_start3A = arith.constant 0 : i32
        %dma_start3A_27 = tpu.memref_slice %arg4[%add3A_26, %dma_start3A] : memref<79x128xi32, #tpu.memory_space<vmem>> -> memref<1x128xi32, #tpu.memory_space<vmem>>
        %dma_start3A_28 = tpu.memref_squeeze %dma_start3A_27 : memref<1x128xi32, #tpu.memory_space<vmem>> -> memref<128xi32, #tpu.memory_space<vmem>>
        %dma_start3A_29 = arith.constant 0 : i32
        %dma_start3A_30 = tpu.memref_slice %arg7[%dma_start3A_29] : memref<10240xf32, #tpu.memory_space<vmem_shared>> -> memref<10240xf32, #tpu.memory_space<vmem_shared>>
        tpu.enqueue_indirect_dma source(%arg5 : memref<128xf32, #tpu.memory_space<vmem>>) target(%dma_start3A_30 : memref<10240xf32, #tpu.memory_space<vmem_shared>>) offsets(%dma_start3A_28 : memref<128xi32, #tpu.memory_space<vmem>>) semaphore(%run_scoped3A : memref<!tpu.dma_semaphore, #tpu.memory_space<semaphore_mem>>) {add = true}
        %dma_wait3A = arith.constant 0 : i32
        %dma_wait3A_31 = tpu.memref_slice %arg4[%add3A_26, %dma_wait3A] : memref<79x128xi32, #tpu.memory_space<vmem>> -> memref<1x128xi32, #tpu.memory_space<vmem>>
        %dma_wait3A_32 = tpu.memref_squeeze %dma_wait3A_31 : memref<1x128xi32, #tpu.memory_space<vmem>> -> memref<128xi32, #tpu.memory_space<vmem>>
        %dma_wait3A_33 = arith.constant 0 : i32
        %dma_wait3A_34 = tpu.memref_slice %arg7[%dma_wait3A_33] : memref<10240xf32, #tpu.memory_space<vmem_shared>> -> memref<10240xf32, #tpu.memory_space<vmem_shared>>
        tpu.wait_indirect_dma semaphore(%run_scoped3A : memref<!tpu.dma_semaphore, #tpu.memory_space<semaphore_mem>>) src(%arg5 : memref<128xf32, #tpu.memory_space<vmem>>) dst(%dma_wait3A_34 : memref<10240xf32, #tpu.memory_space<vmem_shared>>)
        tpu.yield
      }) : () -> ()
    }
    %scan3A_16 = arith.constant 79 : i32
    %barrier3A_17 = arith.constant 0 : index
    tpu.barrier barrier_id(%barrier3A_17)
    %mul3A_18 = arith.constant 640 : i32
    %mul3A_19 = arith.muli %arg1, %mul3A_18 : i32
    %mul3A_20 = arith.constant 640 : i32
    %mul3A_21 = arith.muli %arg1, %mul3A_20 : i32
    "tpu.region"() ({
      %run_scoped3A = tpu.sem_alloc : memref<!tpu.dma_semaphore, #tpu.memory_space<semaphore_mem>>
      %dma_start3A = tpu.memref_slice %arg3[%arg0, %mul3A_21] : memref<2x10240xf32, #tpu.memory_space<hbm>> -> memref<1x640xf32, #tpu.memory_space<hbm>>
      %dma_start3A_22 = tpu.memref_squeeze %dma_start3A : memref<1x640xf32, #tpu.memory_space<hbm>> -> memref<640xf32, #tpu.memory_space<hbm>>
      %dma_start3A_23 = tpu.memref_slice %arg7[%mul3A_19] : memref<10240xf32, #tpu.memory_space<vmem_shared>> -> memref<640xf32, #tpu.memory_space<vmem_shared>>
      tpu.enqueue_dma source(%dma_start3A_23 : memref<640xf32, #tpu.memory_space<vmem_shared>>) target(%dma_start3A_22 : memref<640xf32, #tpu.memory_space<hbm>>) target_semaphore(%run_scoped3A : memref<!tpu.dma_semaphore, #tpu.memory_space<semaphore_mem>>)
      %dma_wait3A = tpu.memref_slice %arg3[%arg0, %mul3A_21] : memref<2x10240xf32, #tpu.memory_space<hbm>> -> memref<1x640xf32, #tpu.memory_space<hbm>>
      %dma_wait3A_24 = tpu.memref_squeeze %dma_wait3A : memref<1x640xf32, #tpu.memory_space<hbm>> -> memref<640xf32, #tpu.memory_space<hbm>>
      %dma_wait3A_25 = tpu.memref_slice %arg7[%mul3A_19] : memref<10240xf32, #tpu.memory_space<vmem_shared>> -> memref<640xf32, #tpu.memory_space<vmem_shared>>
      tpu.wait_dma2 semaphore(%run_scoped3A : memref<!tpu.dma_semaphore, #tpu.memory_space<semaphore_mem>>) src(%dma_wait3A_25 : memref<640xf32, #tpu.memory_space<vmem_shared>>) dst(%dma_wait3A_24 : memref<640xf32, #tpu.memory_space<hbm>>)
      tpu.yield
    }) : () -> ()
    return
  }
}

module attributes {stable_mosaic.version = 14 : i64} {
  func.func @_tc_pre_body(%arg0: i32, %arg1: memref<512x128xf32, #tpu.memory_space<vmem>>, %arg2: memref<128x128xf32, #tpu.memory_space<vmem>>, %arg3: memref<1x128xf32, #tpu.memory_space<vmem>>, %arg4: memref<2x512xf32, #tpu.memory_space<vmem>>, %arg5: memref<512x128xf32, #tpu.memory_space<vmem>>, %arg6: memref<1x512xf32, #tpu.memory_space<vmem>>) attributes {dimension_semantics = [#tpu.dimension_semantics<arbitrary>], iteration_bounds = array<i64: 20>, scalar_prefetch = 0 : i64, scratch_operands = 0 : i64, tpu.core_type = #tpu.core_type<tc>, window_params = [{transform_indices = @transform_0, window_bounds = array<i64: 512, 128>}, {pipeline_mode = #tpu.pipeline_mode<synchronous>, transform_indices = @transform_1, window_bounds = array<i64: 128, 128>}, {pipeline_mode = #tpu.pipeline_mode<synchronous>, transform_indices = @transform_2, window_bounds = array<i64: 1, 128>}, {transform_indices = @transform_3, window_bounds = array<i64: 2, 512>}, {transform_indices = @transform_4, window_bounds = array<i64: 512, 128>}, {transform_indices = @transform_5, window_bounds = array<i64: 1, 512>}]} {
    %get3A = arith.constant 0 : index
    %get3A_0 = arith.constant 0 : index
    %get3A_1 = vector.load %arg1[%get3A, %get3A_0] : memref<512x128xf32, #tpu.memory_space<vmem>>, vector<512x128xf32>
    %get3A_2 = arith.constant 0 : index
    %get3A_3 = arith.constant 0 : index
    %get3A_4 = vector.load %arg2[%get3A_2, %get3A_3] : memref<128x128xf32, #tpu.memory_space<vmem>>, vector<128x128xf32>
    %dot_general3A = arith.constant dense<0.000000e+00> : vector<512x128xf32>
    %dot_general3A_5 = tpu.matmul %get3A_1, %get3A_4, %dot_general3A {dimension_numbers = #tpu.dot_dimension_numbers<[1], [1], [0], [0], [0, 0, 1, 0], [], []>, transpose_lhs_hint = false} : vector<512x128xf32>, vector<128x128xf32>, vector<512x128xf32> -> vector<512x128xf32>
    %get3A_6 = arith.constant 0 : index
    %get3A_7 = arith.constant 0 : index
    %get3A_8 = vector.load %arg3[%get3A_6, %get3A_7] : memref<1x128xf32, #tpu.memory_space<vmem>>, vector<1x128xf32>
    %add3A = vector.broadcast %get3A_8 : vector<1x128xf32> to vector<512x128xf32>
    %add3A_9 = arith.addf %dot_general3A_5, %add3A : vector<512x128xf32>
    %get3A_10 = arith.constant 0 : index
    %get3A_11 = arith.constant 0 : index
    %get3A_12 = vector.load %arg4[%get3A_10, %get3A_11] : memref<2x512xf32, #tpu.memory_space<vmem>>, vector<1x512xf32>
    %get3A_13 = vector.shape_cast %get3A_12 : vector<1x512xf32> to vector<512xf32>
    %get3A_14 = arith.constant 1 : index
    %get3A_15 = arith.constant 0 : index
    %get3A_16 = vector.load %arg4[%get3A_14, %get3A_15] : memref<2x512xf32, #tpu.memory_space<vmem>>, vector<1x512xf32>
    %get3A_17 = vector.shape_cast %get3A_16 : vector<1x512xf32> to vector<512xf32>
    %add3A_18 = arith.addf %get3A_13, %get3A_17 : vector<512xf32>
    %rsqrt3A = math.rsqrt %add3A_18 : vector<512xf32>
    %broadcast_in_dim3A = vector.shape_cast %rsqrt3A : vector<512xf32> to vector<512x1xf32>
    %mul3A = vector.broadcast %broadcast_in_dim3A : vector<512x1xf32> to vector<512x128xf32>
    %mul3A_19 = arith.mulf %mul3A, %add3A_9 : vector<512x128xf32>
    %swap3A = arith.constant 0 : index
    %swap3A_20 = arith.constant 0 : index
    %swap3A_21 = vector.load %arg5[%swap3A, %swap3A_20] : memref<512x128xf32, #tpu.memory_space<vmem>>, vector<512x128xf32>
    tpu.vector_store %arg5[%swap3A, %swap3A_20], %mul3A_19 {strides = array<i32>} : memref<512x128xf32, #tpu.memory_space<vmem>>, vector<512x128xf32>,
    %broadcast_in_dim3A_22 = vector.shape_cast %rsqrt3A : vector<512xf32> to vector<1x512xf32>
    %swap3A_23 = arith.constant 0 : index
    %swap3A_24 = arith.constant 0 : index
    %swap3A_25 = vector.load %arg6[%swap3A_23, %swap3A_24] : memref<1x512xf32, #tpu.memory_space<vmem>>, vector<1x512xf32>
    tpu.vector_store %arg6[%swap3A_23, %swap3A_24], %broadcast_in_dim3A_22 {strides = array<i32>} : memref<1x512xf32, #tpu.memory_space<vmem>>, vector<1x512xf32>,
    return
  }
  func.func @transform_0(%arg0: i32) -> (i32, i32) {
    %c0_i32 = arith.constant 0 : i32
    %c0_i32_0 = arith.constant 0 : i32
    return %arg0, %c0_i32 : i32, i32
  }
  func.func @transform_1(%arg0: i32) -> (i32, i32) {
    %c0_i32 = arith.constant 0 : i32
    %c0_i32_0 = arith.constant 0 : i32
    %c0_i32_1 = arith.constant 0 : i32
    return %c0_i32, %c0_i32_0 : i32, i32
  }
  func.func @transform_2(%arg0: i32) -> (i32, i32) {
    %c0_i32 = arith.constant 0 : i32
    %c0_i32_0 = arith.constant 0 : i32
    %c0_i32_1 = arith.constant 0 : i32
    return %c0_i32, %c0_i32_0 : i32, i32
  }
  func.func @transform_3(%arg0: i32) -> (i32, i32) {
    %c0_i32 = arith.constant 0 : i32
    %c0_i32_0 = arith.constant 0 : i32
    return %c0_i32, %arg0 : i32, i32
  }
  func.func @transform_4(%arg0: i32) -> (i32, i32) {
    %c0_i32 = arith.constant 0 : i32
    %c0_i32_0 = arith.constant 0 : i32
    return %arg0, %c0_i32 : i32, i32
  }
  func.func @transform_5(%arg0: i32) -> (i32, i32) {
    %c0_i32 = arith.constant 0 : i32
    %c0_i32_0 = arith.constant 0 : i32
    return %c0_i32, %arg0 : i32, i32
  }
}

module attributes {stable_mosaic.version = 14 : i64} {
  func.func @_tc_post_body(%arg0: i32, %arg1: memref<512x128xf32, #tpu.memory_space<vmem>>, %arg2: memref<1x512xf32, #tpu.memory_space<vmem>>, %arg3: memref<512x128xf32, #tpu.memory_space<vmem>>) attributes {dimension_semantics = [#tpu.dimension_semantics<arbitrary>], iteration_bounds = array<i64: 20>, scalar_prefetch = 0 : i64, scratch_operands = 0 : i64, tpu.core_type = #tpu.core_type<tc>, window_params = [{transform_indices = @transform_0, window_bounds = array<i64: 512, 128>}, {transform_indices = @transform_1, window_bounds = array<i64: 1, 512>}, {transform_indices = @transform_2, window_bounds = array<i64: 512, 128>}]} {
    %get3A = arith.constant 0 : index
    %get3A_0 = arith.constant 0 : index
    %get3A_1 = vector.load %arg2[%get3A, %get3A_0] : memref<1x512xf32, #tpu.memory_space<vmem>>, vector<1x512xf32>
    %get3A_2 = vector.shape_cast %get3A_1 : vector<1x512xf32> to vector<512xf32>
    %broadcast_in_dim3A = vector.shape_cast %get3A_2 : vector<512xf32> to vector<512x1xf32>
    %get3A_3 = arith.constant 0 : index
    %get3A_4 = arith.constant 0 : index
    %get3A_5 = vector.load %arg1[%get3A_3, %get3A_4] : memref<512x128xf32, #tpu.memory_space<vmem>>, vector<512x128xf32>
    %mul3A = vector.broadcast %broadcast_in_dim3A : vector<512x1xf32> to vector<512x128xf32>
    %mul3A_6 = arith.mulf %mul3A, %get3A_5 : vector<512x128xf32>
    %swap3A = arith.constant 0 : index
    %swap3A_7 = arith.constant 0 : index
    %swap3A_8 = vector.load %arg3[%swap3A, %swap3A_7] : memref<512x128xf32, #tpu.memory_space<vmem>>, vector<512x128xf32>
    tpu.vector_store %arg3[%swap3A, %swap3A_7], %mul3A_6 {strides = array<i32>} : memref<512x128xf32, #tpu.memory_space<vmem>>, vector<512x128xf32>,
    return
  }
  func.func @transform_0(%arg0: i32) -> (i32, i32) {
    %c0_i32 = arith.constant 0 : i32
    %c0_i32_0 = arith.constant 0 : i32
    return %arg0, %c0_i32 : i32, i32
  }
  func.func @transform_1(%arg0: i32) -> (i32, i32) {
    %c0_i32 = arith.constant 0 : i32
    %c0_i32_0 = arith.constant 0 : i32
    return %c0_i32, %arg0 : i32, i32
  }
  func.func @transform_2(%arg0: i32) -> (i32, i32) {
    %c0_i32 = arith.constant 0 : i32
    %c0_i32_0 = arith.constant 0 : i32
    return %arg0, %c0_i32 : i32, i32
  }
}

</mosaic_0001>

<sc_bundles>
// kernel: kernel.6.cloned.1.call-start
scs
__scs_entry_jumppad:
0x0: {  	(pc) =	sbr.rel $0x88, $3  }
0x1: {  	(tag) =	ssettag $0x0;
	lr =	simm.s32 $0x1  }
0x2: {  	[smem:$0x3F9D] =	sst lr;
	_ =	strace $0xD0000000  }
0x3: {  	_ = 	snop  }
0x4: {  	_ = 	snop  }
0x5: {  	_ = 	snop  }
0x6: {  	_ = 	snop  }
0x7: {  	_ = 	snop  }
__scs_overlays_trampoline_lowered:
0x8: {  	[smem:$0x3FAC] =	sst s0  }
0x9: {  	[smem:$0x3FAD] =	sst s1  }
0xa: {  	[smem:$0x3FAE] =	sst s2  }
0xb: {  	[smem:$0x3FAF] =	sst s3  }
0xc: {  	[smem:$0x3FB0] =	sst s4  }
0xd: {  	[smem:$0x3FB1] =	sst s5  }
0xe: {  	[smem:$0x3FB2] =	sst s6  }
0xf: {  	[smem:$0x3FB3] =	sst s7  }
0x10: {  	[smem:$0x3FB4] =	sst s8  }
0x11: {  	[smem:$0x3FB5] =	sst s9;
	s0 =	simm.s32 @!p0 $0x0  }
0x12: {  	s1 =	sld [smem:$0x3F9B];
	s0 =	simm.s32 @p0 $0x1  }
0x13: {  	[smem:$0x3FB6] =	sst s0;
	s0 =	simm.s32 @!p1 $0x0  }
0x14: {  	s2 =	sld [smem:$0x3F9A];
	s0 =	simm.s32 @p1 $0x1  }
0x15: {  	[smem:$0x3FB7] =	sst s0;
	s0 =	simm.s32 @!p2 $0x0  }
0x16: {  	s3 =	sld [smem:$0x3FDB];
	s0 =	simm.s32 @p2 $0x1  }
0x17: {  	s4 =	simm.s32 $0x1BF5;
	[smem:$0x3FB9] =	sst s0  }
0x18: {  	s0 =	sld [smem:$0x3F9C];
	_ =	swait.ge [sflag:s4], $0x0  }
0x19: {  	s7 =	sld [smem:$0x3F9D]  }
0x1a: {  	s8 =	sadd.s32 $0xFFFFE003, lr  }
0x1b: {  	s9 =	sadd.s32 $0xFFFFFEF7, lr;
	s5 =	simm.s32 $0xFFFFFFFF;
	p2 =	slt.u32 s8, $0xFFFFF086  }
0x1c: {  	p1 =	slt.u32 s9, $0xF7A;
	s5 =	simm.s32 @!p2 $0x0  }
0x1d: {  	s5 =	simm.s32 @p1 $0x1;
	p0 =	seq.s32 s7, s2  }
0x1e: {  	s7 =	smul.u32 @!p0 $0xF7A, s2;
	p2 =	seq.s32 @!p0 s5, $0x0  }
0x1f: {  	s9 =	smul.u32 $0xF7A, s1;
	s8 =	simm.s32 @!p0 $0x1BF5;
	p2 =	por !p2, p0  }
0x20: {  	[sflag:s8] =	ssyncset.s32 @!p0 $0xFFFFF086;
	s6 =	sadd.s32 @!p0 s3, s7;
	s7 =	simm.s32 @!p0 $0x108  }
0x21: {  	s3 =	sadd.s32 s3, s9;
	s6 =	sadd.s32 @!p0 $0x88, s6;
	s7 =	simm.s32 @p2 $0x1082  }
0x22: {  	[simem:s7], [sflag:s8] =	dma.local @!p0 [hbm:s6], $0xF7A  }
0x23: {  	s9 =	sor.u32 $0xD0000000, s2;
	s6 =	simm.s32 $0x108;
	_ =	swait.ge @!p0 [sflag:s8], $0x0  }
0x24: {  	s3 =	sadd.s32 $0x88, s3;
	s6 =	simm.s32 @!p1 $0x1082;
	[sflag:s4] =	ssyncset.s32 $0xFFFFF086  }
0x25: {  	[simem:s6], [sflag:s4] =	dma.local [hbm:s3], $0xF7A  }
0x26: {  	[smem:$0x3F9D] =	sst s1;
	(tag) =	ssettag s2;
	_ =	strace s9  }
0x27: {  	s1 =	sld [smem:$0x3FAD]  }
0x28: {  	s2 =	sld [smem:$0x3FAE]  }
0x29: {  	s4 =	sld [smem:$0x3FB0]  }
0x2a: {  	p0 =	seq.s32 s5, $0x0;
	s5 =	sld [smem:$0x3FB1]  }
0x2b: {  	s6 =	sld [smem:$0x3FB2]  }
0x2c: {  	s7 =	sld [smem:$0x3FB3]  }
0x2d: {  	s3 =	simm.s32 $0x108;
	s8 =	sld [smem:$0x3FB4]  }
0x2e: {  	s3 =	simm.s32 @!p0 $0x1082;
	s9 =	sld [smem:$0x3FB5]  }
0x2f: {  	lr =	sadd.s32 s0, s3;
	s0 =	sld [smem:$0x3FAC]  }
0x30: {  	s3 =	sld [smem:$0x3FAF]  }
0x31: {  	[smem:$0x3FB8] =	sst s10  }
0x32: {  	s10 =	sld [smem:$0x3FB6];
	_ =	sdelay $0x3  }
0x33: {  	p0 =	seq.s32 s10, $0x1;
	s10 =	sld [smem:$0x3FB8];
	_ =	sdelay $0x3  }
0x34: {  	[smem:$0x3FB8] =	sst s10  }
0x35: {  	s10 =	sld [smem:$0x3FB7];
	_ =	sdelay $0x3  }
0x36: {  	p1 =	seq.s32 s10, $0x1;
	s10 =	sld [smem:$0x3FB8];
	_ =	sdelay $0x3  }
0x37: {  	[smem:$0x3FB8] =	sst s10  }
0x38: {  	s10 =	sld [smem:$0x3FB9]  }
0x39: {  	_ = 	snop;
	(pc) =	sbr.ind lr, $3  }
0x3a: {  	_ = 	snop  }
0x3b: {  	_ = 	snop  }
0x3c: {  	p2 =	seq.s32 s10, $0x1;
	s10 =	sld [smem:$0x3FB8]  }
0x3d: {  	_ =	shalt  }
0x3e: {  	_ =	shalt  }
0x3f: {  	_ =	shalt  }
0x40: {  	_ =	shalt  }
0x41: {  	_ =	shalt  }
0x42: {  	_ =	shalt  }
0x43: {  	_ =	shalt  }
0x44: {  	_ =	shalt  }
0x45: {  	_ =	shalt  }
0x46: {  	_ =	shalt  }
0x47: {  	_ =	shalt  }
0x48: {  	_ =	shalt  }
0x49: {  	_ =	shalt  }
0x4a: {  	_ =	shalt  }
0x4b: {  	_ =	shalt  }
0x4c: {  	_ =	shalt  }
0x4d: {  	_ =	shalt  }
0x4e: {  	_ =	shalt  }
0x4f: {  	_ =	shalt  }
0x50: {  	_ =	shalt  }
0x51: {  	_ =	shalt  }
0x52: {  	_ =	shalt  }
0x53: {  	_ =	shalt  }
0x54: {  	_ =	shalt  }
0x55: {  	_ =	shalt  }
0x56: {  	_ =	shalt  }
0x57: {  	_ =	shalt  }
0x58: {  	_ =	shalt  }
0x59: {  	_ =	shalt  }
0x5a: {  	_ =	shalt  }
0x5b: {  	_ =	shalt  }
0x5c: {  	_ =	shalt  }
0x5d: {  	_ =	shalt  }
0x5e: {  	_ =	shalt  }
0x5f: {  	_ =	shalt  }
0x60: {  	_ =	shalt  }
0x61: {  	_ =	shalt  }
0x62: {  	_ =	shalt  }
0x63: {  	_ =	shalt  }
0x64: {  	_ =	shalt  }
0x65: {  	_ =	shalt  }
0x66: {  	_ =	shalt  }
0x67: {  	_ =	shalt  }
0x68: {  	_ =	shalt  }
0x69: {  	_ =	shalt  }
0x6a: {  	_ =	shalt  }
0x6b: {  	_ =	shalt  }
0x6c: {  	_ =	shalt  }
0x6d: {  	_ =	shalt  }
0x6e: {  	_ =	shalt  }
0x6f: {  	_ =	shalt  }
0x70: {  	_ =	shalt  }
0x71: {  	_ =	shalt  }
0x72: {  	_ =	shalt  }
0x73: {  	_ =	shalt  }
0x74: {  	_ =	shalt  }
0x75: {  	_ =	shalt  }
0x76: {  	_ =	shalt  }
0x77: {  	_ =	shalt  }
0x78: {  	_ =	shalt  }
0x79: {  	_ =	shalt  }
0x7a: {  	_ =	shalt  }
0x7b: {  	_ =	shalt  }
0x7c: {  	_ =	shalt  }
0x7d: {  	_ =	shalt  }
0x7e: {  	_ =	shalt  }
0x7f: {  	_ =	shalt  }
0x80: {  	_ =	shalt  }
0x81: {  	_ =	shalt  }
0x82: {  	_ =	shalt  }
0x83: {  	_ =	shalt  }
0x84: {  	_ =	shalt  }
0x85: {  	_ =	shalt  }
0x86: {  	_ =	shalt  }
0x87: {  	_ =	shalt  }
.Lfunc_end0:
.L_simem_size_0:
called_computation_lowered:
.L_overlay_start_0:
0x88: {  	s2 =	sld [smem:$0x3FD9]  }
0x89: {  	s3 =	sld [smem:$0x3FFE];
	_ =	sdelay $0x1  }
0x8a: {  	s1 =	srdreg.scid  }
0x8b: {  	s0 =	sand.u32 $0x1, s1  }
0x8c: {  	s17 =	sshll.u32 s0, $0xA;
	s2 =	sadd.s32 s3, s2  }
0x8d: {  	s2 =	sadd.s32 s2, s17  }
0x8e: {  	[smem:$0x3FC4] =	sst s2  }
0x8f: {  	_ = 	snop  }
0x90: {  	s2 =	sld [smem:$0x3FD0];
	(tm) =	ssettm $0x1  }
0x91: {  	s18 =	sld [smem:$0x3FFB];
	_ =	sdelay $0x3  }
0x92: {  	_ =	strace s18  }
0x93: {  	s3 =	sld [smem:$0x3FFC];
	_ =	sdelay $0x3  }
0x94: {  	_ =	strace s3  }
0x95: {  	s3 =	sld [smem:$0x3FFD];
	_ =	sdelay $0x3  }
0x96: {  	_ =	strace s3  }
0x97: {  	_ =	strace $0x8FFFFFFF  }
0x98: {  	s19 =	sld [smem:$0x3FDB];
	_ =	sdelay $0x1  }
0x99: {  	s4 =	simm.s32 $_scs_section_size  }
0x9a: {  	s5 =	simm.s32 $_size__tile_overlayer_lowered;
	s6 =	simm.s32 $_tile_overlayer_lowered  }
0x9b: {  	s22 =	simm.s32 $0x1BFF;
	s21 =	sshll.u32 s6, $0x1;
	s3 =	sadd.s32 s4, s19  }
0x9c: {  	s7 =	simm.s32 $0x0;
	s20 =	sshll.u32 s5, $0x1;
	s5 =	sadd.s32 s21, s3  }
0x9d: {  	[timem:s7], [sflag:s22] =	dma.local [hbm:s5], s20  }
0x9e: {  	_ =	swait.ge [sflag:s22], s20  }
0x9f: {  	s4 =	ssub.s32 $0x0, s20;
	[sflag:s22] =	ssyncset.done $0x0  }
0xa0: {  	[sflag:s22] =	ssyncadd.s32 s4;
	_ =	sdelay $0x1  }
0xa1: {  	s23 =	simm.s32 $0x1B8B  }
0xa2: {  	_ =	swait.ge [sflag:s23], $0x1  }
0xa3: {  	[sflag:s23] =	ssyncset.done $0x0  }
0xa4: {  	s25 =	simm.s32 $0x1B8E;
	s24 =	sld [smem:$0x3FFE];
	[sflag:s23] =	ssyncadd.s32 $0xFFFFFFFF  }
0xa5: {  	s26 =	simm.s32 $execute0_lowered;
	[smem:$0x3FD2] =	sst s25  }
0xa6: {  	s5 =	sshll.u32 s26, $0x1;
	_ =	strace $0x80000046;
	[dreg:$0x1] =	wrdreg $0xFFFFFFFF  }
0xa7: {  	s28 =	simm.s32 $_size_execute0_lowered;
	s3 =	sadd.s32 s3, s5;
	[dreg:$0x0] =	wrdreg $0x0  }
0xa8: {  	s5 =	sshll.u32 s28, $0x1;
	[dreg:$0x2] =	wrdreg s3  }
0xa9: {  	[dreg:$0x3] =	wrdreg s5  }
0xaa: {  	[dreg:$0x4] =	wrdreg $0xC0  }
0xab: {  	_ =	task [dreg:s7], $0x5FFFF  }
0xac: {  	[dreg:$0x1] =	wrdreg $0xFFFFFFFF  }
0xad: {  	[dreg:$0x0] =	wrdreg $0x60  }
0xae: {  	[dreg:$0x2] =	wrdreg s2  }
0xaf: {  	[dreg:$0x3] =	wrdreg s24  }
0xb0: {  	[dreg:$0x4] =	wrdreg $0x2B000  }
0xb1: {  	[dreg:$0x5] =	wrdreg $0x9  }
0xb2: {  	_ =	task.clear_ibuf [dreg:s7], $0x6FFFF;
	_ =	strace $0x90000046  }
0xb3: {  	s29 =	simm.s32 $0x9;
	_ =	strace $0x80000048  }
0xb4: {  	_ =	swait.ge [sflag:s29], $0x1  }
0xb5: {  	[sflag:s29] =	ssyncadd.s32 $0xFFFFFFFF  }
0xb6: {  	_ =	strace $0x90000048  }
0xb7: {  	_ =	sfence  }
0xb8: {  	s30 =	sld [smem:$0x0];
	_ =	sdelay $0x2  }
0xb9: {  	s31 =	sshll.u32 s1, $0xD;
	s1 =	sshrl.u32 s1, $0x2  }
0xba: {  	s3 =	sand.u32 $0x4000, s31;
	s1 =	sadd.s32 s1, s30  }
0xbb: {  	s0 =	sor.u32 s3, s0;
	s1 =	sshll.u32 s1, $0x11  }
0xbc: {  	s0 =	sor.u32 s1, s0  }
0xbd: {  	s0 =	sadd.s32 $0x8F2B, s0  }
0xbe: {  	[sflag:s0] =	ssyncadd.remote.s32 $0x1  }
0xbf: {  	_ =	sfence.sel $0xFFFF  }
0xc0: {  	[dreg:$0x0] =	wrdreg $0xFFFFFFFF;
	(pc) =	sbr.abs _section_cstart, $3  }
0xc1: {  	[dreg:$0x1] =	wrdreg $0xFFFFFFFF  }
0xc2: {  	_ =	task.clear_ibuf [dreg:s7], $0x2FFFF;
	_ =	strace $0x9FFFFFFF  }
0xc3: {  	(tm) =	ssettm $0x7FFFFFFF  }
tec
execute0_lowered:
.L_overlay_start_1:
0x0: {  	(tag) =	ssettag $0x1  }
0x1: {  	s5 =	rddreg [dreg:$0x0]  }
0x2: {  	s4 =	rddreg [dreg:$0x1]  }
0x3: {  	s2 =	rddreg [dreg:$0x2]  }
0x4: {  	s0 =	rddreg [dreg:$0x3]  }
0x5: {  	s3 =	simm.s32 $0x0;
	s6 =	srdreg.scid;
	s1 =	stileid.u32  }
0x6: {  	s11 =	simm.s32 $0x2800;
	s14 =	simm.s32 $0x20;
	s15 =	simm.s32 $0x10  }
0x7: {  	s16 =	simm.s32 $0x0;
	[smem:$0x7FF] =	sst s3;
	s7 =	smul.u32 $0x500, s1  }
0x8: {  	s6 =	sand.u32 $0x1, s6;
	s30 =	smul.u32 $0xA00, s1;
	s12 =	sshll.u32 s1, $0x6  }
0x9: {  	_ =	strace $0x80000047;
	s8 =	sshll.u32 s6, $0x7;
	s9 =	sshll.u32 s6, $0x4  }
0xa: {  	s6 =	ssub.s32 $0x2, s6;
	s12 =	sor.u32 $0x1C01, s12;
	s7 =	sor.u32 s8, s7  }
0xb: {  	s29 =	sor.u32 s1, s9;
	s31 =	sshrl.u32 s6, $0x1;
	s9 =	sshrl.u32 s30, $0x2  }
0xc: {  	s7 =	sshrl.u32 s7, $0x3;
	s8 =	smul.u32 $0x500, s29;
	s10 =	ssub.s32 s6, s31  }
0xd: {  	s7 =	sadd.s32 s7, s4;
	s4 =	sadd.s32 s9, s2;
	s9 =	simm.s32 $0x1  }
0xe: {  	s5 =	sadd.s32 s5, s8;
	s6 =	sadd.s32 $0x1200, s7;
	s7 =	smax.u32 s10, $0x1  }
0xf: {  	v0 =	vimm.f32 $0.0e+00;
	v1 =	vimm.f32 $1.000000000e+00;
	s8 =	simm.s32 $0x2880;
	s10 =	simm.s32 $0x80;
	s13 =	sshrl.u32 s4, $0x3  }
.LBB2_1:
0x10: {  	[tilespmem:$0x2880] =	vst v0  }
0x11: {  	[tilespmem:$0x2890] =	vst v0  }
0x12: {  	[tilespmem:$0x28A0] =	vst v0  }
0x13: {  	[tilespmem:$0x28B0] =	vst v0  }
0x14: {  	[tilespmem:$0x28C0] =	vst v0  }
0x15: {  	[tilespmem:$0x28D0] =	vst v0  }
0x16: {  	[tilespmem:$0x28E0] =	vst v0  }
0x17: {  	[tilespmem:$0x28F0] =	vst v0  }
0x18: {  	[tilespmem:$0x2900] =	vst v0  }
0x19: {  	[tilespmem:$0x2910] =	vst v0  }
0x1a: {  	[tilespmem:$0x2920] =	vst v0  }
0x1b: {  	[tilespmem:$0x2930] =	vst v0  }
0x1c: {  	[tilespmem:$0x2940] =	vst v0  }
0x1d: {  	[tilespmem:$0x2950] =	vst v0  }
0x1e: {  	[tilespmem:$0x2960] =	vst v0  }
0x1f: {  	[tilespmem:$0x2970] =	vst v0  }
0x20: {  	[tilespmem:$0x2980] =	vst v0  }
0x21: {  	[tilespmem:$0x2990] =	vst v0  }
0x22: {  	[tilespmem:$0x29A0] =	vst v0  }
0x23: {  	[tilespmem:$0x29B0] =	vst v0  }
0x24: {  	[tilespmem:$0x29C0] =	vst v0  }
0x25: {  	[tilespmem:$0x29D0] =	vst v0  }
0x26: {  	[tilespmem:$0x29E0] =	vst v0  }
0x27: {  	[tilespmem:$0x29F0] =	vst v0  }
0x28: {  	[tilespmem:$0x2A00] =	vst v0  }
0x29: {  	[tilespmem:$0x2A10] =	vst v0  }
0x2a: {  	[tilespmem:$0x2A20] =	vst v0  }
0x2b: {  	[tilespmem:$0x2A30] =	vst v0  }
0x2c: {  	[tilespmem:$0x2A40] =	vst v0  }
0x2d: {  	[tilespmem:$0x2A50] =	vst v0  }
0x2e: {  	[tilespmem:$0x2A60] =	vst v0  }
0x2f: {  	[tilespmem:$0x2A70] =	vst v0  }
0x30: {  	[tilespmem:$0x2A80] =	vst v0  }
0x31: {  	[tilespmem:$0x2A90] =	vst v0  }
0x32: {  	[tilespmem:$0x2AA0] =	vst v0  }
0x33: {  	[tilespmem:$0x2AB0] =	vst v0  }
0x34: {  	[tilespmem:$0x2AC0] =	vst v0  }
0x35: {  	[tilespmem:$0x2AD0] =	vst v0  }
0x36: {  	[tilespmem:$0x2AE0] =	vst v0  }
0x37: {  	[tilespmem:$0x2AF0] =	vst v0  }
0x38: {  	[tilespmem:$0x2800] =	vst v1  }
0x39: {  	[tilespmem:$0x2810] =	vst v1  }
0x3a: {  	[tilespmem:$0x2820] =	vst v1  }
0x3b: {  	[tilespmem:$0x2830] =	vst v1  }
0x3c: {  	[tilespmem:$0x2840] =	vst v1  }
0x3d: {  	[tilespmem:$0x2850] =	vst v1  }
0x3e: {  	[tilespmem:$0x2860] =	vst v1  }
0x3f: {  	[tilespmem:$0x2870] =	vst v1  }
0x40: {  	[spmem:s4] =	stream.linear.scatter [tilespmem:s8], [sflag:$0x1], $0x280, $0x38;
	[tilespmem:$0x2D80] =	vst v63  }
0x41: {  	_ =	swait.ge [sflag:s9], $0x280  }
0x42: {  	[sflag:s9] =	ssyncset.done $0x0  }
0x43: {  	[sflag:s9] =	ssyncadd.s32 $0xFFFFFD80  }
0x44: {  	[bflag:$0x0] =	sbarrier.arrive $0xFFFF  }
0x45: {  	[tilespmem:s3], [sflag:$0x1] =	stream.linear.gather [hbm4b:s5+s3], $0x2780, $0x38;
	[tilespmem:$0x2D80] =	vst v63  }
0x46: {  	_ =	swait.ge [sflag:s9], $0x2780  }
0x47: {  	[sflag:s9] =	ssyncset.done $0x0  }
0x48: {  	s17 =	simm.s32 $0x0;
	[sflag:s9] =	ssyncadd.s32 $0xFFFFD880  }
0x49: {  	[spmem:s2] =	stream.indirect.scatter.add.f32 [tilespmem:s11], [sflag:$0x1], $0x1, s17, s10, $0xb8;
	[tilespmem:$0x2D80] =	vst v63  }
0x4a: {  	_ =	swait.ge [sflag:s9], $0x80  }
0x4b: {  	s17 =	simm.s32 $0x200;
	[sflag:s9] =	ssyncset.done $0x0  }
.LBB2_2:
0x4c: {  	s18 =	sshra.s32 s17, $0x2;
	[sflag:s9] =	ssyncadd.s32 $0xFFFFFF80;
	p0 =	sne.s32 s17, $0x9C00  }
0x4d: {  	[spmem:s2] =	stream.indirect.scatter.add.f32 [tilespmem:s11], [sflag:$0x1], $0x1, s18, s10, $0xb8;
	[tilespmem:$0x2D80] =	vst v63  }
.Ltmp0:
0x4e: {  	_ = 	snop;
	(pc) =	sbr.rel @p0 .LBB2_2-.Ltmp0, $4  }
0x4f: {  	_ = 	snop  }
0x50: {  	s17 =	sadd.s32 $0x200, s17  }
0x51: {  	_ =	swait.ge [sflag:s9], $0x80  }
0x52: {  	[sflag:s9] =	ssyncset.done $0x0  }
0x53: {  	s16 =	sadd.s32 $0x1, s16  }
0x54: {  	[sflag:s9] =	ssyncadd.s32 $0xFFFFFF80;
	p0 =	sne.s32 s16, s7  }
.Ltmp1:
0x55: {  	[bflag:$0x0] =	sbarrier.arrive $0xFFFF;
	(pc) =	sbr.rel @p0 .LBB2_1-.Ltmp1, $4  }
0x56: {  	[hbm:s6@s14], [sflag:s12] =	dma.strided [spmem:s13@s15], $0x50, s9, $0x10   }
0x57: {  	_ =	swait.ge [sflag:s9], $0x50  }
0x58: {  	[sflag:s9] =	ssyncset.done $0x0  }
0x59: {  	[sflag:s9] =	ssyncadd.s32 $0xFFFFFFB0  }
0x5a: {  	_ =	sfence.sel $0x180000  }
0x5b: {  	[bflag:$0x0] =	sbarrier.arrive $0xFFFF  }
0x5c: {  	p0 =	sne.s32 s1, $0x0;
	_ =	strace $0x90000047  }
0x5d: {  	s0 =	sadd.s32 @!p0 $0x100000, s0;
	[bflag:$0x2] =	sbarrier.arrive $0xFFFF  }
0x5e: {  	[sflag:s0] =	ssyncadd.tile.s32 @!p0 $0x1;
	_ =	shalt  }
.Lfunc_end2:
_tile_overlayer_lowered:
.L_overlay_start_2:
0x5f: {  	(tag) =	ssettag $0x2  }
0x60: {  	s0 =	rddreg [dreg:$0x0];
	s2 =	stileid.u32  }
0x61: {  	s1 =	rddreg [dreg:$0x1];
	p0 =	sne.s32 s2, $0x0  }
0x62: {  	s3 =	rddreg [dreg:$0x2];
	[bflag:$0x3] =	sbarrier.arrive $0xFFFF;
	s2 =	simm.s32 @!p0 $0x1C01  }
0x63: {  	[timem:s3], [sflag:s2] =	dma.local @!p0 [hbm:s0], s1  }
0x64: {  	s0 =	simm.s32 @!p0 $0x1  }
0x65: {  	_ =	swait.ge @!p0 [sflag:s0], s1  }
0x66: {  	s1 =	ssub.s32 @!p0 $0x0, s1;
	[sflag:s0] =	ssyncset.done @!p0 $0x0  }
0x67: {  	[sflag:s0] =	ssyncadd.s32 @!p0 s1  }
0x68: {  	[bflag:$0x3] =	sbarrier.arrive $0xFFFF  }
0x69: {  	_ =	shalt  }

// kernel: kernel.9.cloned.1.call-start
scs
__scs_entry_jumppad:
0x0: {  	(pc) =	sbr.rel $0x88, $3  }
0x1: {  	(tag) =	ssettag $0x0;
	lr =	simm.s32 $0x1  }
0x2: {  	[smem:$0x3F9D] =	sst lr;
	_ =	strace $0xD0000000  }
0x3: {  	_ = 	snop  }
0x4: {  	_ = 	snop  }
0x5: {  	_ = 	snop  }
0x6: {  	_ = 	snop  }
0x7: {  	_ = 	snop  }
__scs_overlays_trampoline_lowered:
0x8: {  	[smem:$0x3FAC] =	sst s0  }
0x9: {  	[smem:$0x3FAD] =	sst s1  }
0xa: {  	[smem:$0x3FAE] =	sst s2  }
0xb: {  	[smem:$0x3FAF] =	sst s3  }
0xc: {  	[smem:$0x3FB0] =	sst s4  }
0xd: {  	[smem:$0x3FB1] =	sst s5  }
0xe: {  	[smem:$0x3FB2] =	sst s6  }
0xf: {  	[smem:$0x3FB3] =	sst s7  }
0x10: {  	[smem:$0x3FB4] =	sst s8  }
0x11: {  	[smem:$0x3FB5] =	sst s9;
	s0 =	simm.s32 @!p0 $0x0  }
0x12: {  	s1 =	sld [smem:$0x3F9B];
	s0 =	simm.s32 @p0 $0x1  }
0x13: {  	[smem:$0x3FB6] =	sst s0;
	s0 =	simm.s32 @!p1 $0x0  }
0x14: {  	s2 =	sld [smem:$0x3F9A];
	s0 =	simm.s32 @p1 $0x1  }
0x15: {  	[smem:$0x3FB7] =	sst s0;
	s0 =	simm.s32 @!p2 $0x0  }
0x16: {  	s3 =	sld [smem:$0x3FDB];
	s0 =	simm.s32 @p2 $0x1  }
0x17: {  	s4 =	simm.s32 $0x1BF5;
	[smem:$0x3FB9] =	sst s0  }
0x18: {  	s0 =	sld [smem:$0x3F9C];
	_ =	swait.ge [sflag:s4], $0x0  }
0x19: {  	s7 =	sld [smem:$0x3F9D]  }
0x1a: {  	s8 =	sadd.s32 $0xFFFFE003, lr  }
0x1b: {  	s9 =	sadd.s32 $0xFFFFFEF7, lr;
	s5 =	simm.s32 $0xFFFFFFFF;
	p2 =	slt.u32 s8, $0xFFFFF086  }
0x1c: {  	p1 =	slt.u32 s9, $0xF7A;
	s5 =	simm.s32 @!p2 $0x0  }
0x1d: {  	s5 =	simm.s32 @p1 $0x1;
	p0 =	seq.s32 s7, s2  }
0x1e: {  	s7 =	smul.u32 @!p0 $0xF7A, s2;
	p2 =	seq.s32 @!p0 s5, $0x0  }
0x1f: {  	s9 =	smul.u32 $0xF7A, s1;
	s8 =	simm.s32 @!p0 $0x1BF5;
	p2 =	por !p2, p0  }
0x20: {  	[sflag:s8] =	ssyncset.s32 @!p0 $0xFFFFF086;
	s6 =	sadd.s32 @!p0 s3, s7;
	s7 =	simm.s32 @!p0 $0x108  }
0x21: {  	s3 =	sadd.s32 s3, s9;
	s6 =	sadd.s32 @!p0 $0x88, s6;
	s7 =	simm.s32 @p2 $0x1082  }
0x22: {  	[simem:s7], [sflag:s8] =	dma.local @!p0 [hbm:s6], $0xF7A  }
0x23: {  	s9 =	sor.u32 $0xD0000000, s2;
	s6 =	simm.s32 $0x108;
	_ =	swait.ge @!p0 [sflag:s8], $0x0  }
0x24: {  	s3 =	sadd.s32 $0x88, s3;
	s6 =	simm.s32 @!p1 $0x1082;
	[sflag:s4] =	ssyncset.s32 $0xFFFFF086  }
0x25: {  	[simem:s6], [sflag:s4] =	dma.local [hbm:s3], $0xF7A  }
0x26: {  	[smem:$0x3F9D] =	sst s1;
	(tag) =	ssettag s2;
	_ =	strace s9  }
0x27: {  	s1 =	sld [smem:$0x3FAD]  }
0x28: {  	s2 =	sld [smem:$0x3FAE]  }
0x29: {  	s4 =	sld [smem:$0x3FB0]  }
0x2a: {  	p0 =	seq.s32 s5, $0x0;
	s5 =	sld [smem:$0x3FB1]  }
0x2b: {  	s6 =	sld [smem:$0x3FB2]  }
0x2c: {  	s7 =	sld [smem:$0x3FB3]  }
0x2d: {  	s3 =	simm.s32 $0x108;
	s8 =	sld [smem:$0x3FB4]  }
0x2e: {  	s3 =	simm.s32 @!p0 $0x1082;
	s9 =	sld [smem:$0x3FB5]  }
0x2f: {  	lr =	sadd.s32 s0, s3;
	s0 =	sld [smem:$0x3FAC]  }
0x30: {  	s3 =	sld [smem:$0x3FAF]  }
0x31: {  	[smem:$0x3FB8] =	sst s10  }
0x32: {  	s10 =	sld [smem:$0x3FB6];
	_ =	sdelay $0x3  }
0x33: {  	p0 =	seq.s32 s10, $0x1;
	s10 =	sld [smem:$0x3FB8];
	_ =	sdelay $0x3  }
0x34: {  	[smem:$0x3FB8] =	sst s10  }
0x35: {  	s10 =	sld [smem:$0x3FB7];
	_ =	sdelay $0x3  }
0x36: {  	p1 =	seq.s32 s10, $0x1;
	s10 =	sld [smem:$0x3FB8];
	_ =	sdelay $0x3  }
0x37: {  	[smem:$0x3FB8] =	sst s10  }
0x38: {  	s10 =	sld [smem:$0x3FB9]  }
0x39: {  	_ = 	snop;
	(pc) =	sbr.ind lr, $3  }
0x3a: {  	_ = 	snop  }
0x3b: {  	_ = 	snop  }
0x3c: {  	p2 =	seq.s32 s10, $0x1;
	s10 =	sld [smem:$0x3FB8]  }
0x3d: {  	_ =	shalt  }
0x3e: {  	_ =	shalt  }
0x3f: {  	_ =	shalt  }
0x40: {  	_ =	shalt  }
0x41: {  	_ =	shalt  }
0x42: {  	_ =	shalt  }
0x43: {  	_ =	shalt  }
0x44: {  	_ =	shalt  }
0x45: {  	_ =	shalt  }
0x46: {  	_ =	shalt  }
0x47: {  	_ =	shalt  }
0x48: {  	_ =	shalt  }
0x49: {  	_ =	shalt  }
0x4a: {  	_ =	shalt  }
0x4b: {  	_ =	shalt  }
0x4c: {  	_ =	shalt  }
0x4d: {  	_ =	shalt  }
0x4e: {  	_ =	shalt  }
0x4f: {  	_ =	shalt  }
0x50: {  	_ =	shalt  }
0x51: {  	_ =	shalt  }
0x52: {  	_ =	shalt  }
0x53: {  	_ =	shalt  }
0x54: {  	_ =	shalt  }
0x55: {  	_ =	shalt  }
0x56: {  	_ =	shalt  }
0x57: {  	_ =	shalt  }
0x58: {  	_ =	shalt  }
0x59: {  	_ =	shalt  }
0x5a: {  	_ =	shalt  }
0x5b: {  	_ =	shalt  }
0x5c: {  	_ =	shalt  }
0x5d: {  	_ =	shalt  }
0x5e: {  	_ =	shalt  }
0x5f: {  	_ =	shalt  }
0x60: {  	_ =	shalt  }
0x61: {  	_ =	shalt  }
0x62: {  	_ =	shalt  }
0x63: {  	_ =	shalt  }
0x64: {  	_ =	shalt  }
0x65: {  	_ =	shalt  }
0x66: {  	_ =	shalt  }
0x67: {  	_ =	shalt  }
0x68: {  	_ =	shalt  }
0x69: {  	_ =	shalt  }
0x6a: {  	_ =	shalt  }
0x6b: {  	_ =	shalt  }
0x6c: {  	_ =	shalt  }
0x6d: {  	_ =	shalt  }
0x6e: {  	_ =	shalt  }
0x6f: {  	_ =	shalt  }
0x70: {  	_ =	shalt  }
0x71: {  	_ =	shalt  }
0x72: {  	_ =	shalt  }
0x73: {  	_ =	shalt  }
0x74: {  	_ =	shalt  }
0x75: {  	_ =	shalt  }
0x76: {  	_ =	shalt  }
0x77: {  	_ =	shalt  }
0x78: {  	_ =	shalt  }
0x79: {  	_ =	shalt  }
0x7a: {  	_ =	shalt  }
0x7b: {  	_ =	shalt  }
0x7c: {  	_ =	shalt  }
0x7d: {  	_ =	shalt  }
0x7e: {  	_ =	shalt  }
0x7f: {  	_ =	shalt  }
0x80: {  	_ =	shalt  }
0x81: {  	_ =	shalt  }
0x82: {  	_ =	shalt  }
0x83: {  	_ =	shalt  }
0x84: {  	_ =	shalt  }
0x85: {  	_ =	shalt  }
0x86: {  	_ =	shalt  }
0x87: {  	_ =	shalt  }
.Lfunc_end0:
.L_simem_size_0:
called_computation.1_lowered:
.L_overlay_start_0:
0x88: {  	s2 =	sld [smem:$0x3FD9]  }
0x89: {  	s3 =	sld [smem:$0x3FFE];
	_ =	sdelay $0x1  }
0x8a: {  	s1 =	srdreg.scid  }
0x8b: {  	s0 =	sand.u32 $0x1, s1  }
0x8c: {  	s17 =	sshll.u32 s0, $0xA;
	s2 =	sadd.s32 s3, s2  }
0x8d: {  	s2 =	sadd.s32 s2, s17  }
0x8e: {  	[smem:$0x3FC4] =	sst s2  }
0x8f: {  	_ = 	snop  }
0x90: {  	s2 =	sld [smem:$0x3FD0];
	(tm) =	ssettm $0x1  }
0x91: {  	s18 =	sld [smem:$0x3FFB];
	_ =	sdelay $0x3  }
0x92: {  	_ =	strace s18  }
0x93: {  	s3 =	sld [smem:$0x3FFC];
	_ =	sdelay $0x3  }
0x94: {  	_ =	strace s3  }
0x95: {  	s3 =	sld [smem:$0x3FFD];
	_ =	sdelay $0x3  }
0x96: {  	_ =	strace s3  }
0x97: {  	_ =	strace $0x8FFFFFFF  }
0x98: {  	s19 =	sld [smem:$0x3FDB];
	_ =	sdelay $0x1  }
0x99: {  	s4 =	simm.s32 $_scs_section_size  }
0x9a: {  	s5 =	simm.s32 $_size__tile_overlayer_lowered;
	s6 =	simm.s32 $_tile_overlayer_lowered  }
0x9b: {  	s22 =	simm.s32 $0x1BFF;
	s21 =	sshll.u32 s6, $0x1;
	s3 =	sadd.s32 s4, s19  }
0x9c: {  	s7 =	simm.s32 $0x0;
	s20 =	sshll.u32 s5, $0x1;
	s5 =	sadd.s32 s21, s3  }
0x9d: {  	[timem:s7], [sflag:s22] =	dma.local [hbm:s5], s20  }
0x9e: {  	_ =	swait.ge [sflag:s22], s20  }
0x9f: {  	s4 =	ssub.s32 $0x0, s20;
	[sflag:s22] =	ssyncset.done $0x0  }
0xa0: {  	[sflag:s22] =	ssyncadd.s32 s4;
	_ =	sdelay $0x1  }
0xa1: {  	s23 =	simm.s32 $0x1B8B  }
0xa2: {  	_ =	swait.ge [sflag:s23], $0x1  }
0xa3: {  	[sflag:s23] =	ssyncset.done $0x0  }
0xa4: {  	s25 =	simm.s32 $0x1B8E;
	s24 =	sld [smem:$0x3FFE];
	[sflag:s23] =	ssyncadd.s32 $0xFFFFFFFF  }
0xa5: {  	s26 =	simm.s32 $execute0_lowered;
	[smem:$0x3FD2] =	sst s25  }
0xa6: {  	s5 =	sshll.u32 s26, $0x1;
	_ =	strace $0x80000049;
	[dreg:$0x1] =	wrdreg $0xFFFFFFFF  }
0xa7: {  	s28 =	simm.s32 $_size_execute0_lowered;
	s3 =	sadd.s32 s3, s5;
	[dreg:$0x0] =	wrdreg $0x0  }
0xa8: {  	s5 =	sshll.u32 s28, $0x1;
	[dreg:$0x2] =	wrdreg s3  }
0xa9: {  	[dreg:$0x3] =	wrdreg s5  }
0xaa: {  	[dreg:$0x4] =	wrdreg $0xC0  }
0xab: {  	_ =	task [dreg:s7], $0x5FFFF  }
0xac: {  	[dreg:$0x1] =	wrdreg $0xFFFFFFFF  }
0xad: {  	[dreg:$0x0] =	wrdreg $0x60  }
0xae: {  	[dreg:$0x2] =	wrdreg s2  }
0xaf: {  	[dreg:$0x3] =	wrdreg s24  }
0xb0: {  	[dreg:$0x4] =	wrdreg $0xE0000  }
0xb1: {  	[dreg:$0x5] =	wrdreg $0x9  }
0xb2: {  	_ =	task.clear_ibuf [dreg:s7], $0x6FFFF;
	_ =	strace $0x90000049  }
0xb3: {  	s29 =	simm.s32 $0x9;
	_ =	strace $0x8000004B  }
0xb4: {  	_ =	swait.ge [sflag:s29], $0x1  }
0xb5: {  	[sflag:s29] =	ssyncadd.s32 $0xFFFFFFFF  }
0xb6: {  	_ =	strace $0x9000004B  }
0xb7: {  	_ =	sfence  }
0xb8: {  	s30 =	sld [smem:$0x0];
	_ =	sdelay $0x2  }
0xb9: {  	s31 =	sshll.u32 s1, $0xD;
	s1 =	sshrl.u32 s1, $0x2  }
0xba: {  	s3 =	sand.u32 $0x4000, s31;
	s1 =	sadd.s32 s1, s30  }
0xbb: {  	s0 =	sor.u32 s3, s0;
	s1 =	sshll.u32 s1, $0x11  }
0xbc: {  	s0 =	sor.u32 s1, s0  }
0xbd: {  	s0 =	sadd.s32 $0x8F2B, s0  }
0xbe: {  	[sflag:s0] =	ssyncadd.remote.s32 $0x1  }
0xbf: {  	_ =	sfence.sel $0xFFFF  }
0xc0: {  	[dreg:$0x0] =	wrdreg $0xFFFFFFFF;
	(pc) =	sbr.abs _section_cstart, $3  }
0xc1: {  	[dreg:$0x1] =	wrdreg $0xFFFFFFFF  }
0xc2: {  	_ =	task.clear_ibuf [dreg:s7], $0x2FFFF;
	_ =	strace $0x9FFFFFFF  }
0xc3: {  	(tm) =	ssettm $0x7FFFFFFF  }
tec
execute0_lowered:
.L_overlay_start_1:
0x0: {  	(tag) =	ssettag $0x1  }
0x1: {  	s1 =	rddreg [dreg:$0x0]  }
0x2: {  	s5 =	rddreg [dreg:$0x1];
	s0 =	stileid.u32  }
0x3: {  	s2 =	srdreg.scid;
	s3 =	rddreg [dreg:$0x2]  }
0x4: {  	s4 =	simm.s32 $0x0;
	s14 =	simm.s32 $0x5000;
	s15 =	simm.s32 $0x80  }
0x5: {  	s16 =	simm.s32 $0x18000;
	s18 =	simm.s32 $0x4E00;
	s6 =	smul.u32 $0xA00, s0  }
0x6: {  	s10 =	sand.u32 $0x1, s2;
	s2 =	rddreg [dreg:$0x3];
	s8 =	smul.u32 $0xA000, s0  }
0x7: {  	s19 =	simm.s32 $0x9E00;
	[smem:$0x7FF] =	sst s4;
	s9 =	smul.u32 $0x28000, s0  }
0x8: {  	s7 =	smul.u32 $0xA0000, s10;
	_ =	strace $0x8000004A;
	s30 =	ssub.s32 $0x2, s10  }
0x9: {  	s17 =	smul.u32 $0x1388, s10;
	s11 =	sadd.s32 s6, s5;
	s31 =	sshrl.u32 s30, $0x1  }
0xa: {  	s9 =	sshrl.u32 s9, $0x2;
	s29 =	sadd.s32 s8, s7;
	s13 =	ssub.s32 s30, s31  }
0xb: {  	s8 =	sadd.s32 $0xBC00, s11;
	v0 =	vmov s17;
	s17 =	simm.s32 $0x1;
	s6 =	sshrl.u32 s29, $0x3  }
0xc: {  	s12 =	sadd.s32 s6, s5;
	s5 =	sadd.s32 s9, s3;
	s9 =	sadd.s32 $0x1C00, s11  }
0xd: {  	s11 =	smax.u32 s13, $0x1;
	s13 =	simm.s32 $0x2;
	s6 =	sadd.s32 $0x4000, s5  }
0xe: {  	v1 =	vimm.f32 $0.0e+00;
	s7 =	sadd.s32 $0x8000, s5;
	s10 =	sadd.s32 $0x15C00, s12;
	s12 =	simm.s32 $0xA000  }
.LBB2_1:
0xf: {  	s20 =	simm.s32 $0x0;
	s21 =	simm.s32 $0x200  }
.LBB2_2:
0x10: {  	p0 =	sne.s32 s21, $0xFE00;
	[tilespmem:s20+$0xA070] =	vst v1  }
0x11: {  	[tilespmem:s20+$0xA000] =	vst v1  }
0x12: {  	[tilespmem:s20+$0xA010] =	vst v1  }
.Ltmp0:
0x13: {  	[tilespmem:s20+$0xA020] =	vst v1;
	(pc) =	sbr.rel @p0 .LBB2_2-.Ltmp0, $4  }
0x14: {  	[tilespmem:s20+$0xA030] =	vst v1  }
0x15: {  	[tilespmem:s20+$0xA040] =	vst v1  }
0x16: {  	[tilespmem:s20+$0xA050] =	vst v1  }
0x17: {  	[tilespmem:s20+$0xA060] =	vst v1;
	s20 =	sshra.s32 s21, $0x2;
	s21 =	sadd.s32 $0x200, s21  }
0x18: {  	[tilespmem:s20+$0xA070] =	vst v1  }
0x19: {  	[tilespmem:s20+$0xA000] =	vst v1  }
0x1a: {  	[tilespmem:s20+$0xA010] =	vst v1  }
0x1b: {  	[tilespmem:s20+$0xA020] =	vst v1  }
0x1c: {  	[tilespmem:s20+$0xA030] =	vst v1  }
0x1d: {  	[tilespmem:s20+$0xA040] =	vst v1  }
0x1e: {  	[tilespmem:s20+$0xA050] =	vst v1  }
0x1f: {  	[tilespmem:s20+$0xA060] =	vst v1  }
0x20: {  	[spmem:s5] =	stream.linear.scatter [tilespmem:s12], [sflag:$0x2], $0x4000, $0x38;
	[tilespmem:$0x1C000] =	vst v63  }
0x21: {  	_ =	swait.ge [sflag:s13], $0x4000  }
0x22: {  	[sflag:s13] =	ssyncset.done $0x0  }
0x23: {  	[sflag:s13] =	ssyncadd.s32 $0xFFFFC000  }
0x24: {  	[spmem:s6] =	stream.linear.scatter [tilespmem:s12], [sflag:$0x2], $0x4000, $0x38;
	[tilespmem:$0x1C000] =	vst v63  }
0x25: {  	_ =	swait.ge [sflag:s13], $0x4000  }
0x26: {  	[sflag:s13] =	ssyncset.done $0x0  }
0x27: {  	[sflag:s13] =	ssyncadd.s32 $0xFFFFC000  }
0x28: {  	[spmem:s7] =	stream.linear.scatter [tilespmem:s12], [sflag:$0x2], $0x2000, $0x38;
	[tilespmem:$0x1C000] =	vst v63  }
0x29: {  	_ =	swait.ge [sflag:s13], $0x2000  }
0x2a: {  	[sflag:s13] =	ssyncset.done $0x0  }
0x2b: {  	s31 =	simm.s32 $0x0;
	[sflag:s13] =	ssyncadd.s32 $0xFFFFE000  }
0x2c: {  	[tilespmem:s31], [sflag:$0x2] =	stream.linear.gather [hbm4b:s8+s31], $0x4E80, $0x38;
	[tilespmem:$0x1C000] =	vst v63  }
0x2d: {  	_ =	swait.ge [sflag:s13], $0x4E80  }
0x2e: {  	[sflag:s13] =	ssyncset.done $0x0  }
0x2f: {  	[sflag:s13] =	ssyncadd.s32 $0xFFFFB180  }
0x30: {  	[tilespmem:s14], [sflag:$0x2] =	stream.linear.gather [hbm4b:s9+s31], $0x4E80, $0x38;
	[tilespmem:$0x1C000] =	vst v63  }
0x31: {  	_ =	swait.ge [sflag:s13], $0x4E80  }
0x32: {  	[sflag:s13] =	ssyncset.done $0x0  }
0x33: {  	s20 =	simm.s32 $0x0;
	[sflag:s13] =	ssyncadd.s32 $0xFFFFB180  }
0x34: {  	v3 =	vld [tilespmem:s20+$0x5000]  }
0x35: {  	v4 =	vld [tilespmem:s20+$0x5010]  }
0x36: {  	v6 =	vld [tilespmem:s20+$0x5020]  }
0x37: {  	v5 =	vld [tilespmem:s20+$0x5030]  }
0x38: {  	v2 =	vld [tilespmem:s20+$0x5040]  }
0x39: {  	v7 =	vsub.s32 v3, v0;
	v3 =	vld [tilespmem:s20+$0x5050]  }
0x3a: {  	s21 =	simm.s32 $0x200;
	v8 =	vsub.s32 v4, v0;
	v4 =	vld [tilespmem:s20+$0x5060];
	v7 =	vmin.u32 v7, $0x1388  }
.LBB2_4:
0x3b: {  	s22 =	sshra.s32 s21, $0x2;
	p0 =	sne.s32 s21, $0x13800;
	[tilespmem:s20+$0x5000] =	vst v7;
	v7 =	vmin.u32 v8, $0x1388;
	v6 =	vsub.s32 v6, v0;
	v8 =	vld [tilespmem:s20+$0x5070]  }
0x3c: {  	v9 =	vld [tilespmem:s22+$0x5000];
	[tilespmem:s20+$0x5010] =	vst v7;
	v6 =	vmin.u32 v6, $0x1388;
	v5 =	vsub.s32 v5, v0  }
0x3d: {  	v10 =	vld [tilespmem:s22+$0x5010];
	[tilespmem:s20+$0x5020] =	vst v6;
	v5 =	vmin.u32 v5, $0x1388;
	v2 =	vsub.s32 v2, v0  }
.Ltmp1:
0x3e: {  	v6 =	vld [tilespmem:s22+$0x5020];
	[tilespmem:s20+$0x5030] =	vst v5;
	v2 =	vmin.u32 v2, $0x1388;
	v3 =	vsub.s32 v3, v0;
	(pc) =	sbr.rel @p0 .LBB2_4-.Ltmp1, $4  }
0x3f: {  	v5 =	vld [tilespmem:s22+$0x5030];
	[tilespmem:s20+$0x5040] =	vst v2;
	v3 =	vmin.u32 v3, $0x1388;
	v4 =	vsub.s32 v4, v0  }
0x40: {  	v2 =	vld [tilespmem:s22+$0x5040];
	[tilespmem:s20+$0x5050] =	vst v3;
	v4 =	vmin.u32 v4, $0x1388;
	v7 =	vsub.s32 v8, v0  }
0x41: {  	v8 =	vsub.s32 v9, v0;
	v3 =	vld [tilespmem:s22+$0x5050];
	[tilespmem:s20+$0x5060] =	vst v4;
	v9 =	vmin.u32 v7, $0x1388  }
0x42: {  	s21 =	sadd.s32 $0x200, s21;
	v7 =	vmin.u32 v8, $0x1388;
	v8 =	vsub.s32 v10, v0;
	v4 =	vld [tilespmem:s22+$0x5060];
	[tilespmem:s20+$0x5070] =	vst v9;
	s20 =	smov.u32 s22  }
0x43: {  	[tilespmem:s20+$0x5000] =	vst v7;
	v62 =	vmin.u32 v8, $0x1388;
	v6 =	vsub.s32 v6, v0;
	v63 =	vld [tilespmem:s20+$0x5070]  }
0x44: {  	[tilespmem:s20+$0x5010] =	vst v62;
	v6 =	vmin.u32 v6, $0x1388;
	v5 =	vsub.s32 v5, v0  }
0x45: {  	[tilespmem:s20+$0x5020] =	vst v6;
	v5 =	vmin.u32 v5, $0x1388;
	v2 =	vsub.s32 v2, v0  }
0x46: {  	[tilespmem:s20+$0x5030] =	vst v5;
	v2 =	vmin.u32 v2, $0x1388;
	v3 =	vsub.s32 v3, v0  }
0x47: {  	[tilespmem:s20+$0x5040] =	vst v2;
	v2 =	vmin.u32 v3, $0x1388;
	v3 =	vsub.s32 v4, v0  }
0x48: {  	[tilespmem:s20+$0x5050] =	vst v2;
	v2 =	vmin.u32 v3, $0x1388;
	v3 =	vsub.s32 v63, v0  }
0x49: {  	[tilespmem:s20+$0x5060] =	vst v2;
	v2 =	vmin.u32 v3, $0x1388  }
0x4a: {  	[tilespmem:s20+$0x5070] =	vst v2  }
0x4b: {  	s28 =	simm.s32 $0x0;
	[bflag:$0x0] =	sbarrier.arrive $0xFFFF  }
0x4c: {  	[tilespmem:s12], [sflag:$0x1] =	stream.indirect.gather [hbm4b:s1+s15], $0x80, s28, s15, $0xb8;
	[tilespmem:$0x1C000] =	vst v63  }
0x4d: {  	s29 =	simm.s32 $0x80  }
0x4e: {  	[tilespmem:s16], [sflag:$0x1] =	stream.indirect.gather [hbm4b:s1+s15], $0x80, s29, s15, $0xb8;
	[tilespmem:$0x1C000] =	vst v63  }
0x4f: {  	_ =	swait.ge [sflag:s17], $0x4000  }
0x50: {  	[sflag:s17] =	ssyncset.done $0x0  }
0x51: {  	[sflag:s17] =	ssyncadd.s32 $0xFFFFC000  }
0x52: {  	_ =	swait.ge [sflag:s17], $0x4000  }
0x53: {  	[sflag:s17] =	ssyncset.done $0x0  }
0x54: {  	s30 =	simm.s32 $0x5000;
	[sflag:s17] =	ssyncadd.s32 $0xFFFFC000  }
0x55: {  	[spmem:s3] =	stream.indirect.scatter.add.f32 [tilespmem:s12], [sflag:$0x1], $0x80, s30, s15, $0xb8;
	[tilespmem:$0x1C000] =	vst v63  }
0x56: {  	s31 =	simm.s32 $0x5080  }
0x57: {  	[spmem:s3] =	stream.indirect.scatter.add.f32 [tilespmem:s16], [sflag:$0x1], $0x80, s31, s15, $0xb8;
	[tilespmem:$0x1C000] =	vst v63  }
0x58: {  	_ =	swait.ge [sflag:s17], $0x4000  }
0x59: {  	[sflag:s17] =	ssyncset.done $0x0  }
0x5a: {  	[sflag:s17] =	ssyncadd.s32 $0xFFFFC000  }
0x5b: {  	_ =	swait.ge [sflag:s17], $0x4000  }
0x5c: {  	s21 =	simm.s32 $0x800;
	s20 =	simm.s32 $0x400;
	[sflag:s17] =	ssyncset.done $0x0  }
.LBB2_6:
0x5d: {  	s22 =	sshra.s32 s20, $0x2  }
0x5e: {  	[sflag:s17] =	ssyncadd.s32 $0xFFFFC000;
	s20 =	smov.u32 s21;
	s23 =	sadd.s32 $0x400, s21  }
0x5f: {  	[tilespmem:s12], [sflag:$0x1] =	stream.indirect.gather [hbm4b:s1+s15], $0x80, s22, s15, $0xb8;
	[tilespmem:$0x1C000] =	vst v63  }
0x60: {  	p0 =	sne.s32 s21, $0x13400;
	s21 =	sadd.s32 $0x80, s22  }
0x61: {  	[tilespmem:s16], [sflag:$0x1] =	stream.indirect.gather [hbm4b:s1+s15], $0x80, s21, s15, $0xb8;
	[tilespmem:$0x1C000] =	vst v63  }
0x62: {  	_ =	swait.ge [sflag:s17], $0x4000  }
0x63: {  	[sflag:s17] =	ssyncset.done $0x0  }
0x64: {  	[sflag:s17] =	ssyncadd.s32 $0xFFFFC000  }
0x65: {  	_ =	swait.ge [sflag:s17], $0x4000  }
0x66: {  	[sflag:s17] =	ssyncset.done $0x0  }
0x67: {  	s21 =	sadd.s32 $0x5000, s22;
	[sflag:s17] =	ssyncadd.s32 $0xFFFFC000  }
0x68: {  	[spmem:s3] =	stream.indirect.scatter.add.f32 [tilespmem:s12], [sflag:$0x1], $0x80, s21, s15, $0xb8;
	[tilespmem:$0x1C000] =	vst v63  }
0x69: {  	s21 =	sadd.s32 $0x5080, s22  }
0x6a: {  	[spmem:s3] =	stream.indirect.scatter.add.f32 [tilespmem:s16], [sflag:$0x1], $0x80, s21, s15, $0xb8;
	[tilespmem:$0x1C000] =	vst v63  }
.Ltmp2:
0x6b: {  	_ =	swait.ge [sflag:s17], $0x4000;
	(pc) =	sbr.rel @p0 .LBB2_6-.Ltmp2, $4  }
0x6c: {  	[sflag:s17] =	ssyncset.done $0x0  }
0x6d: {  	[sflag:s17] =	ssyncadd.s32 $0xFFFFC000  }
0x6e: {  	_ =	swait.ge [sflag:s17], $0x4000  }
0x6f: {  	s21 =	smov.u32 s23;
	[sflag:s17] =	ssyncset.done $0x0  }
0x70: {  	s20 =	sshra.s32 s20, $0x2;
	[sflag:s17] =	ssyncadd.s32 $0xFFFFC000  }
0x71: {  	[tilespmem:s12], [sflag:$0x1] =	stream.indirect.gather [hbm4b:s1+s15], $0x80, s20, s15, $0xb8;
	[tilespmem:$0x1C000] =	vst v63  }
0x72: {  	s21 =	sadd.s32 $0x80, s20  }
0x73: {  	[tilespmem:s16], [sflag:$0x1] =	stream.indirect.gather [hbm4b:s1+s15], $0x80, s21, s15, $0xb8;
	[tilespmem:$0x1C000] =	vst v63  }
0x74: {  	_ =	swait.ge [sflag:s17], $0x4000  }
0x75: {  	[sflag:s17] =	ssyncset.done $0x0  }
0x76: {  	[sflag:s17] =	ssyncadd.s32 $0xFFFFC000  }
0x77: {  	_ =	swait.ge [sflag:s17], $0x4000  }
0x78: {  	[sflag:s17] =	ssyncset.done $0x0  }
0x79: {  	s29 =	sadd.s32 $0x5000, s20;
	[sflag:s17] =	ssyncadd.s32 $0xFFFFC000  }
0x7a: {  	[spmem:s3] =	stream.indirect.scatter.add.f32 [tilespmem:s12], [sflag:$0x1], $0x80, s29, s15, $0xb8;
	[tilespmem:$0x1C000] =	vst v63  }
0x7b: {  	s20 =	sadd.s32 $0x5080, s20  }
0x7c: {  	[spmem:s3] =	stream.indirect.scatter.add.f32 [tilespmem:s16], [sflag:$0x1], $0x80, s20, s15, $0xb8;
	[tilespmem:$0x1C000] =	vst v63  }
0x7d: {  	_ =	swait.ge [sflag:s17], $0x4000  }
0x7e: {  	[sflag:s17] =	ssyncset.done $0x0  }
0x7f: {  	[sflag:s17] =	ssyncadd.s32 $0xFFFFC000  }
0x80: {  	_ =	swait.ge [sflag:s17], $0x4000  }
0x81: {  	[sflag:s17] =	ssyncset.done $0x0  }
0x82: {  	[sflag:s17] =	ssyncadd.s32 $0xFFFFC000  }
0x83: {  	[tilespmem:s12], [sflag:$0x1] =	stream.indirect.gather [hbm4b:s1+s15], $0x80, s18, s15, $0xb8;
	[tilespmem:$0x1C000] =	vst v63  }
0x84: {  	_ =	swait.ge [sflag:s17], $0x4000  }
0x85: {  	[sflag:s17] =	ssyncset.done $0x0  }
0x86: {  	[sflag:s17] =	ssyncadd.s32 $0xFFFFC000  }
0x87: {  	[spmem:s3] =	stream.indirect.scatter.add.f32 [tilespmem:s12], [sflag:$0x2], $0x80, s19, s15, $0xb8;
	[tilespmem:$0x1C000] =	vst v63  }
0x88: {  	_ =	swait.ge [sflag:s13], $0x4000  }
0x89: {  	s30 =	sshll.u32 s0, $0x6;
	s4 =	sadd.s32 $0x1, s4;
	[sflag:s13] =	ssyncset.done $0x0  }
0x8a: {  	s31 =	sshrl.u32 s5, $0x3;
	p0 =	sne.s32 s4, s11;
	[sflag:s13] =	ssyncadd.s32 $0xFFFFC000  }
.Ltmp3:
0x8b: {  	s20 =	sor.u32 $0x1C02, s30;
	[bflag:$0x0] =	sbarrier.arrive $0xFFFF;
	(pc) =	sbr.rel @p0 .LBB2_1-.Ltmp3, $4  }
0x8c: {  	[hbm:s10], [sflag:s20] =	dma.local [spmem:s31], $0x1400  }
0x8d: {  	_ =	swait.ge [sflag:s13], $0x1400  }
0x8e: {  	[sflag:s13] =	ssyncset.done $0x0  }
0x8f: {  	[sflag:s13] =	ssyncadd.s32 $0xFFFFEC00  }
0x90: {  	_ =	sfence.sel $0x180000  }
0x91: {  	[bflag:$0x0] =	sbarrier.arrive $0xFFFF  }
0x92: {  	p0 =	sne.s32 s0, $0x0;
	_ =	strace $0x9000004A  }
0x93: {  	s0 =	sadd.s32 @!p0 $0x100000, s2;
	[bflag:$0x2] =	sbarrier.arrive $0xFFFF  }
0x94: {  	[sflag:s0] =	ssyncadd.tile.s32 @!p0 $0x1;
	_ =	shalt  }
.Lfunc_end2:
_tile_overlayer_lowered:
.L_overlay_start_2:
0x95: {  	(tag) =	ssettag $0x2  }
0x96: {  	s0 =	rddreg [dreg:$0x0];
	s2 =	stileid.u32  }
0x97: {  	s1 =	rddreg [dreg:$0x1];
	p0 =	sne.s32 s2, $0x0  }
0x98: {  	s3 =	rddreg [dreg:$0x2];
	[bflag:$0x3] =	sbarrier.arrive $0xFFFF;
	s2 =	simm.s32 @!p0 $0x1C02  }
0x99: {  	[timem:s3], [sflag:s2] =	dma.local @!p0 [hbm:s0], s1  }
0x9a: {  	s0 =	simm.s32 @!p0 $0x2  }
0x9b: {  	_ =	swait.ge @!p0 [sflag:s0], s1  }
0x9c: {  	s1 =	ssub.s32 @!p0 $0x0, s1;
	[sflag:s0] =	ssyncset.done @!p0 $0x0  }
0x9d: {  	[sflag:s0] =	ssyncadd.s32 @!p0 s1  }
0x9e: {  	[bflag:$0x3] =	sbarrier.arrive $0xFFFF  }
0x9f: {  	_ =	shalt  }

</sc_bundles>
